<compile_context>
chip_gen: v7x
topology: tpu7x:2x2x1
jax: 0.10.2.dev20260603
libtpu: 0.0.44.dev20260713+nightly
codegen_flags: <defaults>
</compile_context>

<pallas_src>
import jax
import jax.numpy as jnp
from jax import lax
from jax.experimental import pallas as pl
from jax.experimental.pallas import tpu as pltpu
from jax.experimental.pallas import tpu_sc as plsc

N_NODES = 10000
N_EDGES = 320000
D_FEAT = 128

_CHUNK = 80
_NCHUNK = N_EDGES // _CHUNK
_NW = 32
_NG_MAX = _NCHUNK // _NW


def _gather_incident_kernel(table_hbm, esrc_hbm, edst_hbm, out_hbm,
                            tbl_sh, idx_d, idx_s, rows_d, rows_s,
                            semi_d, semi_s, semg_d, semg_s, semo_d, semo_s):
    wid = lax.axis_index("s") * 2 + lax.axis_index("c")
    n_g = _NG_MAX

    sid = lax.axis_index("s")
    rows_per_tile = 624
    pltpu.sync_copy(table_hbm.at[pl.ds(sid * rows_per_tile, rows_per_tile)],
                    tbl_sh.at[pl.ds(sid * rows_per_tile, rows_per_tile)])

    @pl.when(sid == 0)
    def _():
        pltpu.sync_copy(table_hbm.at[pl.ds(16 * rows_per_tile, N_NODES - 16 * rows_per_tile)],
                        tbl_sh.at[pl.ds(16 * rows_per_tile, N_NODES - 16 * rows_per_tile)])

    plsc.subcore_barrier()

    def chunk_base(g):
        return (g * _NW + wid) * _CHUNK

    def stage_a(g, b):
        @pl.when(jnp.logical_and(g >= 0, g < n_g))
        def _():
            base = chunk_base(g)
            pltpu.async_copy(edst_hbm.at[pl.ds(base, _CHUNK)], idx_d.at[b], semi_d[b])
            pltpu.async_copy(esrc_hbm.at[pl.ds(base, _CHUNK)], idx_s.at[b], semi_s[b])

    def stage_b(g, b):
        @pl.when(jnp.logical_and(g >= 0, g < n_g))
        def _():
            pltpu.make_async_copy(edst_hbm.at[pl.ds(0, _CHUNK)], idx_d.at[b], semi_d[b]).wait()
            pltpu.make_async_copy(esrc_hbm.at[pl.ds(0, _CHUNK)], idx_s.at[b], semi_s[b]).wait()

            @pl.when(g >= 2)
            def _():
                pltpu.make_async_copy(rows_d.at[b], out_hbm.at[pl.ds(0, _CHUNK), pl.ds(0, D_FEAT)], semo_d[b]).wait()
                pltpu.make_async_copy(rows_s.at[b], out_hbm.at[pl.ds(0, _CHUNK), pl.ds(D_FEAT, D_FEAT)], semo_s[b]).wait()

            pltpu.async_copy(tbl_sh.at[idx_d.at[b]], rows_d.at[b], semg_d[b])
            pltpu.async_copy(tbl_sh.at[idx_s.at[b]], rows_s.at[b], semg_s[b])

    def stage_c(g, b):
        @pl.when(jnp.logical_and(g >= 0, g < n_g))
        def _():
            pltpu.make_async_copy(tbl_sh.at[idx_d.at[b]], rows_d.at[b], semg_d[b]).wait()
            pltpu.make_async_copy(tbl_sh.at[idx_s.at[b]], rows_s.at[b], semg_s[b]).wait()
            base = chunk_base(g)
            pltpu.async_copy(rows_d.at[b], out_hbm.at[pl.ds(base, _CHUNK), pl.ds(0, D_FEAT)], semo_d[b])
            pltpu.async_copy(rows_s.at[b], out_hbm.at[pl.ds(base, _CHUNK), pl.ds(D_FEAT, D_FEAT)], semo_s[b])

    def step(s, carry):
        for p in range(2):
            g = s * 2 + p
            stage_b(g - 1, (p + 1) % 2)
            stage_c(g - 2, p % 2)
            stage_a(g, p % 2)
        return carry

    lax.fori_loop(0, (_NG_MAX + 2 + 1) // 2, step, 0)

    for b in range(2):
        @pl.when(n_g >= 2 - b)
        def _():
            pltpu.make_async_copy(rows_d.at[b], out_hbm.at[pl.ds(0, _CHUNK), pl.ds(0, D_FEAT)], semo_d[b]).wait()
            pltpu.make_async_copy(rows_s.at[b], out_hbm.at[pl.ds(0, _CHUNK), pl.ds(D_FEAT, D_FEAT)], semo_s[b]).wait()


@jax.jit
def kernel(node_feature, edge_src, edge_dst):
    mesh = plsc.VectorSubcoreMesh(core_axis_name="c", subcore_axis_name="s")
    run = pl.kernel(
        _gather_incident_kernel,
        out_type=jax.ShapeDtypeStruct((N_EDGES, 2 * D_FEAT), jnp.float32),
        mesh=mesh,
        scratch_types=[
            pltpu.VMEM_SHARED((N_NODES, D_FEAT), jnp.float32),
            pltpu.VMEM((2, _CHUNK), jnp.int32),
            pltpu.VMEM((2, _CHUNK), jnp.int32),
            pltpu.VMEM((2, _CHUNK, D_FEAT), jnp.float32),
            pltpu.VMEM((2, _CHUNK, D_FEAT), jnp.float32),
            [pltpu.SemaphoreType.DMA] * 2,
            [pltpu.SemaphoreType.DMA] * 2,
            [pltpu.SemaphoreType.DMA] * 2,
            [pltpu.SemaphoreType.DMA] * 2,
            [pltpu.SemaphoreType.DMA] * 2,
            [pltpu.SemaphoreType.DMA] * 2,
        ],
    )
    return run(node_feature, edge_src, edge_dst)

# --- scband reference (transcript-rebuilt; emitter-appended) ---
"""Pipeline reference for scband-gather-incident-8959301779890 (READ-ONLY COPY).

The authoritative reference and input builder live on the scoring server;
editing this copy changes nothing except your own understanding.
"""

import jax, jax.numpy as jnp
import numpy as np

N_NODES = 10000
N_EDGES = 320000
D_FEAT = 128

def setup_inputs(seed: int = 0) -> dict:
    key = jax.random.key(seed)
    k1, k2, k3 = jax.random.split(key, 3)
    node_feature = jax.random.normal(k1, (N_NODES, D_FEAT), dtype=jnp.float32)
    edge_src = jax.random.randint(k2, (N_EDGES,), 0, N_NODES, dtype=jnp.int64 if jax.config.jax_enable_x64 else jnp.int32).astype(jnp.int32)
    edge_dst = jax.random.randint(k3, (N_EDGES,), 0, N_NODES, dtype=jnp.int64 if jax.config.jax_enable_x64 else jnp.int32).astype(jnp.int32)
    return {"node_feature": node_feature, "edge_src": edge_src, "edge_dst": edge_dst}

def reference(node_feature, edge_src, edge_dst):
    # GatherIncident with merge_mode='concat':
    # gather src and dst node features for every edge, concat along feature axis
    node_feature_src = jnp.take(node_feature, edge_src, axis=0)
    node_feature_dst = jnp.take(node_feature, edge_dst, axis=0)
    node_feature_incident = jnp.concatenate([node_feature_dst, node_feature_src], axis=1)
    return node_feature_incident

if __name__ == "__main__":
    import jax
    _d = setup_inputs()
    print(jax.jit(kernel)(*tuple(_d.values())))

</pallas_src>

<mosaic_0001>
#map = affine_map<(d0, d1) -> (0, 0)>
#map1 = affine_map<(d0, d1) -> (0)>
module attributes {stable_mosaic.version = 14 : i64} {
  func.func @_gather_incident_kernel(%arg0: i32, %arg1: i32, %arg2: memref<10000x128xf32, #tpu.memory_space<hbm>>, %arg3: memref<320000xi32, #tpu.memory_space<hbm>>, %arg4: memref<320000xi32, #tpu.memory_space<hbm>>, %arg5: memref<320000x256xf32, #tpu.memory_space<hbm>>, %arg6: memref<10000x128xf32, #tpu.memory_space<vmem_shared>>, %arg7: memref<2x80xi32, #tpu.memory_space<vmem>>, %arg8: memref<2x80xi32, #tpu.memory_space<vmem>>, %arg9: memref<2x80x128xf32, #tpu.memory_space<vmem>>, %arg10: memref<2x80x128xf32, #tpu.memory_space<vmem>>, %arg11: memref<!tpu.dma_semaphore, #tpu.memory_space<semaphore_mem>>, %arg12: memref<!tpu.dma_semaphore, #tpu.memory_space<semaphore_mem>>, %arg13: memref<!tpu.dma_semaphore, #tpu.memory_space<semaphore_mem>>, %arg14: memref<!tpu.dma_semaphore, #tpu.memory_space<semaphore_mem>>, %arg15: memref<!tpu.dma_semaphore, #tpu.memory_space<semaphore_mem>>, %arg16: memref<!tpu.dma_semaphore, #tpu.memory_space<semaphore_mem>>, %arg17: memref<!tpu.dma_semaphore, #tpu.memory_space<semaphore_mem>>, %arg18: memref<!tpu.dma_semaphore, #tpu.memory_space<semaphore_mem>>, %arg19: memref<!tpu.dma_semaphore, #tpu.memory_space<semaphore_mem>>, %arg20: memref<!tpu.dma_semaphore, #tpu.memory_space<semaphore_mem>>, %arg21: memref<!tpu.dma_semaphore, #tpu.memory_space<semaphore_mem>>, %arg22: memref<!tpu.dma_semaphore, #tpu.memory_space<semaphore_mem>>) attributes {dimension_semantics = [#tpu.dimension_semantics<core_parallel>, #tpu.dimension_semantics<subcore_parallel>], iteration_bounds = array<i64: 2, 16>, scalar_prefetch = 0 : i64, scratch_operands = 17 : i64, tpu.core_type = #tpu.core_type<sc_vector_subcore>, window_params = [{transform_indices = #map}, {transform_indices = #map1}, {transform_indices = #map1}, {transform_indices = #map}]} {
    %mul3A = arith.constant 2 : i32
    %mul3A_0 = arith.muli %arg1, %mul3A : i32
    %add3A = arith.addi %mul3A_0, %arg0 : i32
    %mul3A_1 = arith.constant 624 : i32
    %mul3A_2 = arith.muli %arg1, %mul3A_1 : i32
    %mul3A_3 = arith.constant 624 : i32
    %mul3A_4 = arith.muli %arg1, %mul3A_3 : i32
    "tpu.region"() ({
      %run_scoped3A = tpu.sem_alloc : memref<!tpu.dma_semaphore, #tpu.memory_space<semaphore_mem>>
      %dma_start3A = arith.constant 0 : i32
      %dma_start3A_71 = tpu.memref_slice %arg6[%mul3A_4, %dma_start3A] : memref<10000x128xf32, #tpu.memory_space<vmem_shared>> -> memref<624x128xf32, #tpu.memory_space<vmem_shared>>
      %dma_start3A_72 = arith.constant 0 : i32
      %dma_start3A_73 = tpu.memref_slice %arg2[%mul3A_2, %dma_start3A_72] : memref<10000x128xf32, #tpu.memory_space<hbm>> -> memref<624x128xf32, #tpu.memory_space<hbm>>
      tpu.enqueue_dma source(%dma_start3A_73 : memref<624x128xf32, #tpu.memory_space<hbm>>) target(%dma_start3A_71 : memref<624x128xf32, #tpu.memory_space<vmem_shared>>) target_semaphore(%run_scoped3A : memref<!tpu.dma_semaphore, #tpu.memory_space<semaphore_mem>>)
      %dma_wait3A_74 = arith.constant 0 : i32
      %dma_wait3A_75 = tpu.memref_slice %arg6[%mul3A_4, %dma_wait3A_74] : memref<10000x128xf32, #tpu.memory_space<vmem_shared>> -> memref<624x128xf32, #tpu.memory_space<vmem_shared>>
      %dma_wait3A_76 = arith.constant 0 : i32
      %dma_wait3A_77 = tpu.memref_slice %arg2[%mul3A_2, %dma_wait3A_76] : memref<10000x128xf32, #tpu.memory_space<hbm>> -> memref<624x128xf32, #tpu.memory_space<hbm>>
      tpu.wait_dma2 semaphore(%run_scoped3A : memref<!tpu.dma_semaphore, #tpu.memory_space<semaphore_mem>>) src(%dma_wait3A_77 : memref<624x128xf32, #tpu.memory_space<hbm>>) dst(%dma_wait3A_75 : memref<624x128xf32, #tpu.memory_space<vmem_shared>>)
      tpu.yield
    }) : () -> ()
    %eq3A = arith.constant 0 : i32
    %eq3A_5 = arith.cmpi eq, %arg1, %eq3A : i32
    %convert_element_type3A = arith.extui %eq3A_5 : i1 to i32
    %cond3A = arith.constant 0 : i32
    %cond3A_6 = arith.cmpi ne, %convert_element_type3A, %cond3A : i32
    scf.if %cond3A_6 {
      "tpu.region"() ({
        %run_scoped3A = tpu.sem_alloc : memref<!tpu.dma_semaphore, #tpu.memory_space<semaphore_mem>>
        %dma_start3A = arith.constant 9984 : i32
        %dma_start3A_71 = arith.constant 0 : i32
        %dma_start3A_72 = tpu.memref_slice %arg6[%dma_start3A, %dma_start3A_71] : memref<10000x128xf32, #tpu.memory_space<vmem_shared>> -> memref<16x128xf32, #tpu.memory_space<vmem_shared>>
        %dma_start3A_73 = arith.constant 9984 : i32
        %dma_start3A_74 = arith.constant 0 : i32
        %dma_start3A_75 = tpu.memref_slice %arg2[%dma_start3A_73, %dma_start3A_74] : memref<10000x128xf32, #tpu.memory_space<hbm>> -> memref<16x128xf32, #tpu.memory_space<hbm>>
        tpu.enqueue_dma source(%dma_start3A_75 : memref<16x128xf32, #tpu.memory_space<hbm>>) target(%dma_start3A_72 : memref<16x128xf32, #tpu.memory_space<vmem_shared>>) target_semaphore(%run_scoped3A : memref<!tpu.dma_semaphore, #tpu.memory_space<semaphore_mem>>)
        %dma_wait3A_76 = arith.constant 9984 : i32
        %dma_wait3A_77 = arith.constant 0 : i32
        %dma_wait3A_78 = tpu.memref_slice %arg6[%dma_wait3A_76, %dma_wait3A_77] : memref<10000x128xf32, #tpu.memory_space<vmem_shared>> -> memref<16x128xf32, #tpu.memory_space<vmem_shared>>
        %dma_wait3A_79 = arith.constant 9984 : i32
        %dma_wait3A_80 = arith.constant 0 : i32
        %dma_wait3A_81 = tpu.memref_slice %arg2[%dma_wait3A_79, %dma_wait3A_80] : memref<10000x128xf32, #tpu.memory_space<hbm>> -> memref<16x128xf32, #tpu.memory_space<hbm>>
        tpu.wait_dma2 semaphore(%run_scoped3A : memref<!tpu.dma_semaphore, #tpu.memory_space<semaphore_mem>>) src(%dma_wait3A_81 : memref<16x128xf32, #tpu.memory_space<hbm>>) dst(%dma_wait3A_78 : memref<16x128xf32, #tpu.memory_space<vmem_shared>>)
        tpu.yield
      }) : () -> ()
    } else {
    }
    %barrier3A = arith.constant 0 : index
    tpu.barrier barrier_id(%barrier3A)
    %scan3A = arith.constant 0 : i32
    %scan3A_7 = arith.constant 0 : i32
    %scan3A_8 = arith.constant 64 : i32
    %scan3A_9 = arith.addi %scan3A_7, %scan3A_8 : i32
    %scan3A_10 = arith.constant 1 : i32
    scf.for %scan3A_71 = %scan3A_7 to %scan3A_9 step %scan3A_10  : i32 {
      %mul3A_72 = arith.constant 2 : i32
      %mul3A_73 = arith.muli %scan3A_71, %mul3A_72 : i32
      %add3A_74 = arith.constant 0 : i32
      %add3A_75 = arith.addi %mul3A_73, %add3A_74 : i32
      %sub3A = arith.constant 1 : i32
      %sub3A_76 = arith.subi %add3A_75, %sub3A : i32
      %ge3A = arith.constant 0 : i32
      %ge3A_77 = arith.cmpi sge, %sub3A_76, %ge3A : i32
      %lt3A = arith.constant 125 : i32
      %lt3A_78 = arith.cmpi slt, %sub3A_76, %lt3A : i32
      %and3A = arith.andi %ge3A_77, %lt3A_78 : i1
      %convert_element_type3A_79 = arith.extui %and3A : i1 to i32
      %cond3A_80 = arith.constant 0 : i32
      %cond3A_81 = arith.cmpi ne, %convert_element_type3A_79, %cond3A_80 : i32
      scf.if %cond3A_81 {
        %dma_wait3A_132 = arith.constant 1 : i32
        %dma_wait3A_133 = arith.constant 0 : i32
        %dma_wait3A_134 = tpu.memref_slice %arg7[%dma_wait3A_132, %dma_wait3A_133] : memref<2x80xi32, #tpu.memory_space<vmem>> -> memref<1x80xi32, #tpu.memory_space<vmem>>
        %dma_wait3A_135 = tpu.memref_squeeze %dma_wait3A_134 : memref<1x80xi32, #tpu.memory_space<vmem>> -> memref<80xi32, #tpu.memory_space<vmem>>
        %dma_wait3A_136 = arith.constant 0 : i32
        %dma_wait3A_137 = tpu.memref_slice %arg4[%dma_wait3A_136] : memref<320000xi32, #tpu.memory_space<hbm>> -> memref<80xi32, #tpu.memory_space<hbm>>
        %dma_wait3A_138 = arith.constant 0 : i32
        %dma_wait3A_139 = tpu.memref_slice %arg7[%dma_wait3A_132, %dma_wait3A_138] : memref<2x80xi32, #tpu.memory_space<vmem>> -> memref<1x80xi32, #tpu.memory_space<vmem>>
        %dma_wait3A_140 = tpu.memref_squeeze %dma_wait3A_139 : memref<1x80xi32, #tpu.memory_space<vmem>> -> memref<80xi32, #tpu.memory_space<vmem>>
        %dma_wait3A_141 = arith.constant 0 : i32
        %dma_wait3A_142 = tpu.memref_slice %arg4[%dma_wait3A_141] : memref<320000xi32, #tpu.memory_space<hbm>> -> memref<80xi32, #tpu.memory_space<hbm>>
        tpu.wait_dma2 semaphore(%arg12 : memref<!tpu.dma_semaphore, #tpu.memory_space<semaphore_mem>>) src(%dma_wait3A_142 : memref<80xi32, #tpu.memory_space<hbm>>) dst(%dma_wait3A_140 : memref<80xi32, #tpu.memory_space<vmem>>)
        %dma_wait3A_143 = arith.constant 1 : i32
        %dma_wait3A_144 = arith.constant 0 : i32
        %dma_wait3A_145 = tpu.memref_slice %arg8[%dma_wait3A_143, %dma_wait3A_144] : memref<2x80xi32, #tpu.memory_space<vmem>> -> memref<1x80xi32, #tpu.memory_space<vmem>>
        %dma_wait3A_146 = tpu.memref_squeeze %dma_wait3A_145 : memref<1x80xi32, #tpu.memory_space<vmem>> -> memref<80xi32, #tpu.memory_space<vmem>>
        %dma_wait3A_147 = arith.constant 0 : i32
        %dma_wait3A_148 = tpu.memref_slice %arg3[%dma_wait3A_147] : memref<320000xi32, #tpu.memory_space<hbm>> -> memref<80xi32, #tpu.memory_space<hbm>>
        %dma_wait3A_149 = arith.constant 0 : i32
        %dma_wait3A_150 = tpu.memref_slice %arg8[%dma_wait3A_143, %dma_wait3A_149] : memref<2x80xi32, #tpu.memory_space<vmem>> -> memref<1x80xi32, #tpu.memory_space<vmem>>
        %dma_wait3A_151 = tpu.memref_squeeze %dma_wait3A_150 : memref<1x80xi32, #tpu.memory_space<vmem>> -> memref<80xi32, #tpu.memory_space<vmem>>
        %dma_wait3A_152 = arith.constant 0 : i32
        %dma_wait3A_153 = tpu.memref_slice %arg3[%dma_wait3A_152] : memref<320000xi32, #tpu.memory_space<hbm>> -> memref<80xi32, #tpu.memory_space<hbm>>
        tpu.wait_dma2 semaphore(%arg14 : memref<!tpu.dma_semaphore, #tpu.memory_space<semaphore_mem>>) src(%dma_wait3A_153 : memref<80xi32, #tpu.memory_space<hbm>>) dst(%dma_wait3A_151 : memref<80xi32, #tpu.memory_space<vmem>>)
        %ge3A_154 = arith.constant 2 : i32
        %ge3A_155 = arith.cmpi sge, %sub3A_76, %ge3A_154 : i32
        %convert_element_type3A_156 = arith.extui %ge3A_155 : i1 to i32
        %cond3A_157 = arith.constant 0 : i32
        %cond3A_158 = arith.cmpi ne, %convert_element_type3A_156, %cond3A_157 : i32
        scf.if %cond3A_158 {
          %dma_wait3A_182 = arith.constant 1 : i32
          %dma_wait3A_183 = arith.constant 0 : i32
          %dma_wait3A_184 = arith.constant 0 : i32
          %dma_wait3A_185 = tpu.memref_slice %arg9[%dma_wait3A_182, %dma_wait3A_183, %dma_wait3A_184] : memref<2x80x128xf32, #tpu.memory_space<vmem>> -> memref<1x80x128xf32, #tpu.memory_space<vmem>>
          %dma_wait3A_186 = tpu.memref_squeeze %dma_wait3A_185 : memref<1x80x128xf32, #tpu.memory_space<vmem>> -> memref<80x128xf32, #tpu.memory_space<vmem>>
          %dma_wait3A_187 = arith.constant 0 : i32
          %dma_wait3A_188 = arith.constant 0 : i32
          %dma_wait3A_189 = tpu.memref_slice %arg5[%dma_wait3A_187, %dma_wait3A_188] : memref<320000x256xf32, #tpu.memory_space<hbm>> -> memref<80x128xf32, #tpu.memory_space<hbm>>
          %dma_wait3A_190 = arith.constant 0 : i32
          %dma_wait3A_191 = arith.constant 0 : i32
          %dma_wait3A_192 = tpu.memref_slice %arg5[%dma_wait3A_190, %dma_wait3A_191] : memref<320000x256xf32, #tpu.memory_space<hbm>> -> memref<80x128xf32, #tpu.memory_space<hbm>>
          %dma_wait3A_193 = arith.constant 0 : i32
          %dma_wait3A_194 = arith.constant 0 : i32
          %dma_wait3A_195 = tpu.memref_slice %arg9[%dma_wait3A_182, %dma_wait3A_193, %dma_wait3A_194] : memref<2x80x128xf32, #tpu.memory_space<vmem>> -> memref<1x80x128xf32, #tpu.memory_space<vmem>>
          %dma_wait3A_196 = tpu.memref_squeeze %dma_wait3A_195 : memref<1x80x128xf32, #tpu.memory_space<vmem>> -> memref<80x128xf32, #tpu.memory_space<vmem>>
          tpu.wait_dma2 semaphore(%arg20 : memref<!tpu.dma_semaphore, #tpu.memory_space<semaphore_mem>>) src(%dma_wait3A_196 : memref<80x128xf32, #tpu.memory_space<vmem>>) dst(%dma_wait3A_192 : memref<80x128xf32, #tpu.memory_space<hbm>>)
          %dma_wait3A_197 = arith.constant 1 : i32
          %dma_wait3A_198 = arith.constant 0 : i32
          %dma_wait3A_199 = arith.constant 0 : i32
          %dma_wait3A_200 = tpu.memref_slice %arg10[%dma_wait3A_197, %dma_wait3A_198, %dma_wait3A_199] : memref<2x80x128xf32, #tpu.memory_space<vmem>> -> memref<1x80x128xf32, #tpu.memory_space<vmem>>
          %dma_wait3A_201 = tpu.memref_squeeze %dma_wait3A_200 : memref<1x80x128xf32, #tpu.memory_space<vmem>> -> memref<80x128xf32, #tpu.memory_space<vmem>>
          %dma_wait3A_202 = arith.constant 0 : i32
          %dma_wait3A_203 = arith.constant 128 : i32
          %dma_wait3A_204 = tpu.memref_slice %arg5[%dma_wait3A_202, %dma_wait3A_203] : memref<320000x256xf32, #tpu.memory_space<hbm>> -> memref<80x128xf32, #tpu.memory_space<hbm>>
          %dma_wait3A_205 = arith.constant 0 : i32
          %dma_wait3A_206 = arith.constant 128 : i32
          %dma_wait3A_207 = tpu.memref_slice %arg5[%dma_wait3A_205, %dma_wait3A_206] : memref<320000x256xf32, #tpu.memory_space<hbm>> -> memref<80x128xf32, #tpu.memory_space<hbm>>
          %dma_wait3A_208 = arith.constant 0 : i32
          %dma_wait3A_209 = arith.constant 0 : i32
          %dma_wait3A_210 = tpu.memref_slice %arg10[%dma_wait3A_197, %dma_wait3A_208, %dma_wait3A_209] : memref<2x80x128xf32, #tpu.memory_space<vmem>> -> memref<1x80x128xf32, #tpu.memory_space<vmem>>
          %dma_wait3A_211 = tpu.memref_squeeze %dma_wait3A_210 : memref<1x80x128xf32, #tpu.memory_space<vmem>> -> memref<80x128xf32, #tpu.memory_space<vmem>>
          tpu.wait_dma2 semaphore(%arg22 : memref<!tpu.dma_semaphore, #tpu.memory_space<semaphore_mem>>) src(%dma_wait3A_211 : memref<80x128xf32, #tpu.memory_space<vmem>>) dst(%dma_wait3A_207 : memref<80x128xf32, #tpu.memory_space<hbm>>)
        } else {
        }
        %dma_start3A = arith.constant 1 : i32
        %dma_start3A_159 = arith.constant 1 : i32
        %dma_start3A_160 = arith.constant 0 : i32
        %dma_start3A_161 = arith.constant 0 : i32
        %dma_start3A_162 = tpu.memref_slice %arg9[%dma_start3A_159, %dma_start3A_160, %dma_start3A_161] : memref<2x80x128xf32, #tpu.memory_space<vmem>> -> memref<1x80x128xf32, #tpu.memory_space<vmem>>
        %dma_start3A_163 = tpu.memref_squeeze %dma_start3A_162 : memref<1x80x128xf32, #tpu.memory_space<vmem>> -> memref<80x128xf32, #tpu.memory_space<vmem>>
        %dma_start3A_164 = arith.constant 0 : i32
        %dma_start3A_165 = tpu.memref_slice %arg7[%dma_start3A, %dma_start3A_164] : memref<2x80xi32, #tpu.memory_space<vmem>> -> memref<1x80xi32, #tpu.memory_space<vmem>>
        %dma_start3A_166 = tpu.memref_squeeze %dma_start3A_165 : memref<1x80xi32, #tpu.memory_space<vmem>> -> memref<80xi32, #tpu.memory_space<vmem>>
        %dma_start3A_167 = arith.constant 0 : i32
        %dma_start3A_168 = arith.constant 0 : i32
        %dma_start3A_169 = tpu.memref_slice %arg6[%dma_start3A_167, %dma_start3A_168] : memref<10000x128xf32, #tpu.memory_space<vmem_shared>> -> memref<10000x128xf32, #tpu.memory_space<vmem_shared>>
        tpu.enqueue_indirect_dma source(%dma_start3A_169 : memref<10000x128xf32, #tpu.memory_space<vmem_shared>>) target(%dma_start3A_163 : memref<80x128xf32, #tpu.memory_space<vmem>>) offsets(%dma_start3A_166 : memref<80xi32, #tpu.memory_space<vmem>>) semaphore(%arg16 : memref<!tpu.dma_semaphore, #tpu.memory_space<semaphore_mem>>)
        %dma_start3A_170 = arith.constant 1 : i32
        %dma_start3A_171 = arith.constant 1 : i32
        %dma_start3A_172 = arith.constant 0 : i32
        %dma_start3A_173 = arith.constant 0 : i32
        %dma_start3A_174 = tpu.memref_slice %arg10[%dma_start3A_171, %dma_start3A_172, %dma_start3A_173] : memref<2x80x128xf32, #tpu.memory_space<vmem>> -> memref<1x80x128xf32, #tpu.memory_space<vmem>>
        %dma_start3A_175 = tpu.memref_squeeze %dma_start3A_174 : memref<1x80x128xf32, #tpu.memory_space<vmem>> -> memref<80x128xf32, #tpu.memory_space<vmem>>
        %dma_start3A_176 = arith.constant 0 : i32
        %dma_start3A_177 = tpu.memref_slice %arg8[%dma_start3A_170, %dma_start3A_176] : memref<2x80xi32, #tpu.memory_space<vmem>> -> memref<1x80xi32, #tpu.memory_space<vmem>>
        %dma_start3A_178 = tpu.memref_squeeze %dma_start3A_177 : memref<1x80xi32, #tpu.memory_space<vmem>> -> memref<80xi32, #tpu.memory_space<vmem>>
        %dma_start3A_179 = arith.constant 0 : i32
        %dma_start3A_180 = arith.constant 0 : i32
        %dma_start3A_181 = tpu.memref_slice %arg6[%dma_start3A_179, %dma_start3A_180] : memref<10000x128xf32, #tpu.memory_space<vmem_shared>> -> memref<10000x128xf32, #tpu.memory_space<vmem_shared>>
        tpu.enqueue_indirect_dma source(%dma_start3A_181 : memref<10000x128xf32, #tpu.memory_space<vmem_shared>>) target(%dma_start3A_175 : memref<80x128xf32, #tpu.memory_space<vmem>>) offsets(%dma_start3A_178 : memref<80xi32, #tpu.memory_space<vmem>>) semaphore(%arg18 : memref<!tpu.dma_semaphore, #tpu.memory_space<semaphore_mem>>)
      } else {
      }
      %sub3A_82 = arith.constant 2 : i32
      %sub3A_83 = arith.subi %add3A_75, %sub3A_82 : i32
      %ge3A_84 = arith.constant 0 : i32
      %ge3A_85 = arith.cmpi sge, %sub3A_83, %ge3A_84 : i32
      %lt3A_86 = arith.constant 125 : i32
      %lt3A_87 = arith.cmpi slt, %sub3A_83, %lt3A_86 : i32
      %and3A_88 = arith.andi %ge3A_85, %lt3A_87 : i1
      %convert_element_type3A_89 = arith.extui %and3A_88 : i1 to i32
      %cond3A_90 = arith.constant 0 : i32
      %cond3A_91 = arith.cmpi ne, %convert_element_type3A_89, %cond3A_90 : i32
      scf.if %cond3A_91 {
        %dma_wait3A_132 = arith.constant 0 : i32
        %dma_wait3A_133 = arith.constant 0 : i32
        %dma_wait3A_134 = arith.constant 0 : i32
        %dma_wait3A_135 = arith.constant 0 : i32
        %dma_wait3A_136 = tpu.memref_slice %arg9[%dma_wait3A_133, %dma_wait3A_134, %dma_wait3A_135] : memref<2x80x128xf32, #tpu.memory_space<vmem>> -> memref<1x80x128xf32, #tpu.memory_space<vmem>>
        %dma_wait3A_137 = tpu.memref_squeeze %dma_wait3A_136 : memref<1x80x128xf32, #tpu.memory_space<vmem>> -> memref<80x128xf32, #tpu.memory_space<vmem>>
        %dma_wait3A_138 = arith.constant 0 : i32
        %dma_wait3A_139 = tpu.memref_slice %arg7[%dma_wait3A_132, %dma_wait3A_138] : memref<2x80xi32, #tpu.memory_space<vmem>> -> memref<1x80xi32, #tpu.memory_space<vmem>>
        %dma_wait3A_140 = tpu.memref_squeeze %dma_wait3A_139 : memref<1x80xi32, #tpu.memory_space<vmem>> -> memref<80xi32, #tpu.memory_space<vmem>>
        %dma_wait3A_141 = arith.constant 0 : i32
        %dma_wait3A_142 = arith.constant 0 : i32
        %dma_wait3A_143 = tpu.memref_slice %arg6[%dma_wait3A_141, %dma_wait3A_142] : memref<10000x128xf32, #tpu.memory_space<vmem_shared>> -> memref<10000x128xf32, #tpu.memory_space<vmem_shared>>
        tpu.wait_indirect_dma semaphore(%arg15 : memref<!tpu.dma_semaphore, #tpu.memory_space<semaphore_mem>>) src(%dma_wait3A_143 : memref<10000x128xf32, #tpu.memory_space<vmem_shared>>) dst(%dma_wait3A_137 : memref<80x128xf32, #tpu.memory_space<vmem>>)
        %dma_wait3A_144 = arith.constant 0 : i32
        %dma_wait3A_145 = arith.constant 0 : i32
        %dma_wait3A_146 = arith.constant 0 : i32
        %dma_wait3A_147 = arith.constant 0 : i32
        %dma_wait3A_148 = tpu.memref_slice %arg10[%dma_wait3A_145, %dma_wait3A_146, %dma_wait3A_147] : memref<2x80x128xf32, #tpu.memory_space<vmem>> -> memref<1x80x128xf32, #tpu.memory_space<vmem>>
        %dma_wait3A_149 = tpu.memref_squeeze %dma_wait3A_148 : memref<1x80x128xf32, #tpu.memory_space<vmem>> -> memref<80x128xf32, #tpu.memory_space<vmem>>
        %dma_wait3A_150 = arith.constant 0 : i32
        %dma_wait3A_151 = tpu.memref_slice %arg8[%dma_wait3A_144, %dma_wait3A_150] : memref<2x80xi32, #tpu.memory_space<vmem>> -> memref<1x80xi32, #tpu.memory_space<vmem>>
        %dma_wait3A_152 = tpu.memref_squeeze %dma_wait3A_151 : memref<1x80xi32, #tpu.memory_space<vmem>> -> memref<80xi32, #tpu.memory_space<vmem>>
        %dma_wait3A_153 = arith.constant 0 : i32
        %dma_wait3A_154 = arith.constant 0 : i32
        %dma_wait3A_155 = tpu.memref_slice %arg6[%dma_wait3A_153, %dma_wait3A_154] : memref<10000x128xf32, #tpu.memory_space<vmem_shared>> -> memref<10000x128xf32, #tpu.memory_space<vmem_shared>>
        tpu.wait_indirect_dma semaphore(%arg17 : memref<!tpu.dma_semaphore, #tpu.memory_space<semaphore_mem>>) src(%dma_wait3A_155 : memref<10000x128xf32, #tpu.memory_space<vmem_shared>>) dst(%dma_wait3A_149 : memref<80x128xf32, #tpu.memory_space<vmem>>)
        %mul3A_156 = arith.constant 32 : i32
        %mul3A_157 = arith.muli %sub3A_83, %mul3A_156 : i32
        %add3A_158 = arith.addi %mul3A_157, %add3A : i32
        %mul3A_159 = arith.constant 80 : i32
        %mul3A_160 = arith.muli %add3A_158, %mul3A_159 : i32
        %dma_start3A = arith.constant 0 : i32
        %dma_start3A_161 = arith.constant 0 : i32
        %dma_start3A_162 = arith.constant 0 : i32
        %dma_start3A_163 = tpu.memref_slice %arg9[%dma_start3A, %dma_start3A_161, %dma_start3A_162] : memref<2x80x128xf32, #tpu.memory_space<vmem>> -> memref<1x80x128xf32, #tpu.memory_space<vmem>>
        %dma_start3A_164 = tpu.memref_squeeze %dma_start3A_163 : memref<1x80x128xf32, #tpu.memory_space<vmem>> -> memref<80x128xf32, #tpu.memory_space<vmem>>
        %dma_start3A_165 = arith.constant 0 : i32
        %dma_start3A_166 = tpu.memref_slice %arg5[%mul3A_160, %dma_start3A_165] : memref<320000x256xf32, #tpu.memory_space<hbm>> -> memref<80x128xf32, #tpu.memory_space<hbm>>
        %dma_start3A_167 = arith.constant 0 : i32
        %dma_start3A_168 = tpu.memref_slice %arg5[%mul3A_160, %dma_start3A_167] : memref<320000x256xf32, #tpu.memory_space<hbm>> -> memref<80x128xf32, #tpu.memory_space<hbm>>
        %dma_start3A_169 = arith.constant 0 : i32
        %dma_start3A_170 = arith.constant 0 : i32
        %dma_start3A_171 = tpu.memref_slice %arg9[%dma_start3A, %dma_start3A_169, %dma_start3A_170] : memref<2x80x128xf32, #tpu.memory_space<vmem>> -> memref<1x80x128xf32, #tpu.memory_space<vmem>>
        %dma_start3A_172 = tpu.memref_squeeze %dma_start3A_171 : memref<1x80x128xf32, #tpu.memory_space<vmem>> -> memref<80x128xf32, #tpu.memory_space<vmem>>
        tpu.enqueue_dma source(%dma_start3A_172 : memref<80x128xf32, #tpu.memory_space<vmem>>) target(%dma_start3A_168 : memref<80x128xf32, #tpu.memory_space<hbm>>) target_semaphore(%arg19 : memref<!tpu.dma_semaphore, #tpu.memory_space<semaphore_mem>>)
        %dma_start3A_173 = arith.constant 0 : i32
        %dma_start3A_174 = arith.constant 0 : i32
        %dma_start3A_175 = arith.constant 0 : i32
        %dma_start3A_176 = tpu.memref_slice %arg10[%dma_start3A_173, %dma_start3A_174, %dma_start3A_175] : memref<2x80x128xf32, #tpu.memory_space<vmem>> -> memref<1x80x128xf32, #tpu.memory_space<vmem>>
        %dma_start3A_177 = tpu.memref_squeeze %dma_start3A_176 : memref<1x80x128xf32, #tpu.memory_space<vmem>> -> memref<80x128xf32, #tpu.memory_space<vmem>>
        %dma_start3A_178 = arith.constant 128 : i32
        %dma_start3A_179 = tpu.memref_slice %arg5[%mul3A_160, %dma_start3A_178] : memref<320000x256xf32, #tpu.memory_space<hbm>> -> memref<80x128xf32, #tpu.memory_space<hbm>>
        %dma_start3A_180 = arith.constant 128 : i32
        %dma_start3A_181 = tpu.memref_slice %arg5[%mul3A_160, %dma_start3A_180] : memref<320000x256xf32, #tpu.memory_space<hbm>> -> memref<80x128xf32, #tpu.memory_space<hbm>>
        %dma_start3A_182 = arith.constant 0 : i32
        %dma_start3A_183 = arith.constant 0 : i32
        %dma_start3A_184 = tpu.memref_slice %arg10[%dma_start3A_173, %dma_start3A_182, %dma_start3A_183] : memref<2x80x128xf32, #tpu.memory_space<vmem>> -> memref<1x80x128xf32, #tpu.memory_space<vmem>>
        %dma_start3A_185 = tpu.memref_squeeze %dma_start3A_184 : memref<1x80x128xf32, #tpu.memory_space<vmem>> -> memref<80x128xf32, #tpu.memory_space<vmem>>
        tpu.enqueue_dma source(%dma_start3A_185 : memref<80x128xf32, #tpu.memory_space<vmem>>) target(%dma_start3A_181 : memref<80x128xf32, #tpu.memory_space<hbm>>) target_semaphore(%arg21 : memref<!tpu.dma_semaphore, #tpu.memory_space<semaphore_mem>>)
      } else {
      }
      %ge3A_92 = arith.constant 0 : i32
      %ge3A_93 = arith.cmpi sge, %add3A_75, %ge3A_92 : i32
      %lt3A_94 = arith.constant 125 : i32
      %lt3A_95 = arith.cmpi slt, %add3A_75, %lt3A_94 : i32
      %and3A_96 = arith.andi %ge3A_93, %lt3A_95 : i1
      %convert_element_type3A_97 = arith.extui %and3A_96 : i1 to i32
      %cond3A_98 = arith.constant 0 : i32
      %cond3A_99 = arith.cmpi ne, %convert_element_type3A_97, %cond3A_98 : i32
      scf.if %cond3A_99 {
        %mul3A_132 = arith.constant 32 : i32
        %mul3A_133 = arith.muli %add3A_75, %mul3A_132 : i32
        %add3A_134 = arith.addi %mul3A_133, %add3A : i32
        %mul3A_135 = arith.constant 80 : i32
        %mul3A_136 = arith.muli %add3A_134, %mul3A_135 : i32
        %dma_start3A = arith.constant 0 : i32
        %dma_start3A_137 = arith.constant 0 : i32
        %dma_start3A_138 = tpu.memref_slice %arg7[%dma_start3A, %dma_start3A_137] : memref<2x80xi32, #tpu.memory_space<vmem>> -> memref<1x80xi32, #tpu.memory_space<vmem>>
        %dma_start3A_139 = tpu.memref_squeeze %dma_start3A_138 : memref<1x80xi32, #tpu.memory_space<vmem>> -> memref<80xi32, #tpu.memory_space<vmem>>
        %dma_start3A_140 = tpu.memref_slice %arg4[%mul3A_136] : memref<320000xi32, #tpu.memory_space<hbm>> -> memref<80xi32, #tpu.memory_space<hbm>>
        %dma_start3A_141 = arith.constant 0 : i32
        %dma_start3A_142 = tpu.memref_slice %arg7[%dma_start3A, %dma_start3A_141] : memref<2x80xi32, #tpu.memory_space<vmem>> -> memref<1x80xi32, #tpu.memory_space<vmem>>
        %dma_start3A_143 = tpu.memref_squeeze %dma_start3A_142 : memref<1x80xi32, #tpu.memory_space<vmem>> -> memref<80xi32, #tpu.memory_space<vmem>>
        %dma_start3A_144 = tpu.memref_slice %arg4[%mul3A_136] : memref<320000xi32, #tpu.memory_space<hbm>> -> memref<80xi32, #tpu.memory_space<hbm>>
        tpu.enqueue_dma source(%dma_start3A_144 : memref<80xi32, #tpu.memory_space<hbm>>) target(%dma_start3A_143 : memref<80xi32, #tpu.memory_space<vmem>>) target_semaphore(%arg11 : memref<!tpu.dma_semaphore, #tpu.memory_space<semaphore_mem>>)
        %dma_start3A_145 = arith.constant 0 : i32
        %dma_start3A_146 = arith.constant 0 : i32
        %dma_start3A_147 = tpu.memref_slice %arg8[%dma_start3A_145, %dma_start3A_146] : memref<2x80xi32, #tpu.memory_space<vmem>> -> memref<1x80xi32, #tpu.memory_space<vmem>>
        %dma_start3A_148 = tpu.memref_squeeze %dma_start3A_147 : memref<1x80xi32, #tpu.memory_space<vmem>> -> memref<80xi32, #tpu.memory_space<vmem>>
        %dma_start3A_149 = tpu.memref_slice %arg3[%mul3A_136] : memref<320000xi32, #tpu.memory_space<hbm>> -> memref<80xi32, #tpu.memory_space<hbm>>
        %dma_start3A_150 = arith.constant 0 : i32
        %dma_start3A_151 = tpu.memref_slice %arg8[%dma_start3A_145, %dma_start3A_150] : memref<2x80xi32, #tpu.memory_space<vmem>> -> memref<1x80xi32, #tpu.memory_space<vmem>>
        %dma_start3A_152 = tpu.memref_squeeze %dma_start3A_151 : memref<1x80xi32, #tpu.memory_space<vmem>> -> memref<80xi32, #tpu.memory_space<vmem>>
        %dma_start3A_153 = tpu.memref_slice %arg3[%mul3A_136] : memref<320000xi32, #tpu.memory_space<hbm>> -> memref<80xi32, #tpu.memory_space<hbm>>
        tpu.enqueue_dma source(%dma_start3A_153 : memref<80xi32, #tpu.memory_space<hbm>>) target(%dma_start3A_152 : memref<80xi32, #tpu.memory_space<vmem>>) target_semaphore(%arg13 : memref<!tpu.dma_semaphore, #tpu.memory_space<semaphore_mem>>)
      } else {
      }
      %mul3A_100 = arith.constant 2 : i32
      %mul3A_101 = arith.muli %scan3A_71, %mul3A_100 : i32
      %add3A_102 = arith.constant 1 : i32
      %add3A_103 = arith.addi %mul3A_101, %add3A_102 : i32
      %sub3A_104 = arith.constant 1 : i32
      %sub3A_105 = arith.subi %add3A_103, %sub3A_104 : i32
      %ge3A_106 = arith.constant 0 : i32
      %ge3A_107 = arith.cmpi sge, %sub3A_105, %ge3A_106 : i32
      %lt3A_108 = arith.constant 125 : i32
      %lt3A_109 = arith.cmpi slt, %sub3A_105, %lt3A_108 : i32
      %and3A_110 = arith.andi %ge3A_107, %lt3A_109 : i1
      %convert_element_type3A_111 = arith.extui %and3A_110 : i1 to i32
      %cond3A_112 = arith.constant 0 : i32
      %cond3A_113 = arith.cmpi ne, %convert_element_type3A_111, %cond3A_112 : i32
      scf.if %cond3A_113 {
        %dma_wait3A_132 = arith.constant 0 : i32
        %dma_wait3A_133 = arith.constant 0 : i32
        %dma_wait3A_134 = tpu.memref_slice %arg7[%dma_wait3A_132, %dma_wait3A_133] : memref<2x80xi32, #tpu.memory_space<vmem>> -> memref<1x80xi32, #tpu.memory_space<vmem>>
        %dma_wait3A_135 = tpu.memref_squeeze %dma_wait3A_134 : memref<1x80xi32, #tpu.memory_space<vmem>> -> memref<80xi32, #tpu.memory_space<vmem>>
        %dma_wait3A_136 = arith.constant 0 : i32
        %dma_wait3A_137 = tpu.memref_slice %arg4[%dma_wait3A_136] : memref<320000xi32, #tpu.memory_space<hbm>> -> memref<80xi32, #tpu.memory_space<hbm>>
        %dma_wait3A_138 = arith.constant 0 : i32
        %dma_wait3A_139 = tpu.memref_slice %arg7[%dma_wait3A_132, %dma_wait3A_138] : memref<2x80xi32, #tpu.memory_space<vmem>> -> memref<1x80xi32, #tpu.memory_space<vmem>>
        %dma_wait3A_140 = tpu.memref_squeeze %dma_wait3A_139 : memref<1x80xi32, #tpu.memory_space<vmem>> -> memref<80xi32, #tpu.memory_space<vmem>>
        %dma_wait3A_141 = arith.constant 0 : i32
        %dma_wait3A_142 = tpu.memref_slice %arg4[%dma_wait3A_141] : memref<320000xi32, #tpu.memory_space<hbm>> -> memref<80xi32, #tpu.memory_space<hbm>>
        tpu.wait_dma2 semaphore(%arg11 : memref<!tpu.dma_semaphore, #tpu.memory_space<semaphore_mem>>) src(%dma_wait3A_142 : memref<80xi32, #tpu.memory_space<hbm>>) dst(%dma_wait3A_140 : memref<80xi32, #tpu.memory_space<vmem>>)
        %dma_wait3A_143 = arith.constant 0 : i32
        %dma_wait3A_144 = arith.constant 0 : i32
        %dma_wait3A_145 = tpu.memref_slice %arg8[%dma_wait3A_143, %dma_wait3A_144] : memref<2x80xi32, #tpu.memory_space<vmem>> -> memref<1x80xi32, #tpu.memory_space<vmem>>
        %dma_wait3A_146 = tpu.memref_squeeze %dma_wait3A_145 : memref<1x80xi32, #tpu.memory_space<vmem>> -> memref<80xi32, #tpu.memory_space<vmem>>
        %dma_wait3A_147 = arith.constant 0 : i32
        %dma_wait3A_148 = tpu.memref_slice %arg3[%dma_wait3A_147] : memref<320000xi32, #tpu.memory_space<hbm>> -> memref<80xi32, #tpu.memory_space<hbm>>
        %dma_wait3A_149 = arith.constant 0 : i32
        %dma_wait3A_150 = tpu.memref_slice %arg8[%dma_wait3A_143, %dma_wait3A_149] : memref<2x80xi32, #tpu.memory_space<vmem>> -> memref<1x80xi32, #tpu.memory_space<vmem>>
        %dma_wait3A_151 = tpu.memref_squeeze %dma_wait3A_150 : memref<1x80xi32, #tpu.memory_space<vmem>> -> memref<80xi32, #tpu.memory_space<vmem>>
        %dma_wait3A_152 = arith.constant 0 : i32
        %dma_wait3A_153 = tpu.memref_slice %arg3[%dma_wait3A_152] : memref<320000xi32, #tpu.memory_space<hbm>> -> memref<80xi32, #tpu.memory_space<hbm>>
        tpu.wait_dma2 semaphore(%arg13 : memref<!tpu.dma_semaphore, #tpu.memory_space<semaphore_mem>>) src(%dma_wait3A_153 : memref<80xi32, #tpu.memory_space<hbm>>) dst(%dma_wait3A_151 : memref<80xi32, #tpu.memory_space<vmem>>)
        %ge3A_154 = arith.constant 2 : i32
        %ge3A_155 = arith.cmpi sge, %sub3A_105, %ge3A_154 : i32
        %convert_element_type3A_156 = arith.extui %ge3A_155 : i1 to i32
        %cond3A_157 = arith.constant 0 : i32
        %cond3A_158 = arith.cmpi ne, %convert_element_type3A_156, %cond3A_157 : i32
        scf.if %cond3A_158 {
          %dma_wait3A_182 = arith.constant 0 : i32
          %dma_wait3A_183 = arith.constant 0 : i32
          %dma_wait3A_184 = arith.constant 0 : i32
          %dma_wait3A_185 = tpu.memref_slice %arg9[%dma_wait3A_182, %dma_wait3A_183, %dma_wait3A_184] : memref<2x80x128xf32, #tpu.memory_space<vmem>> -> memref<1x80x128xf32, #tpu.memory_space<vmem>>
          %dma_wait3A_186 = tpu.memref_squeeze %dma_wait3A_185 : memref<1x80x128xf32, #tpu.memory_space<vmem>> -> memref<80x128xf32, #tpu.memory_space<vmem>>
          %dma_wait3A_187 = arith.constant 0 : i32
          %dma_wait3A_188 = arith.constant 0 : i32
          %dma_wait3A_189 = tpu.memref_slice %arg5[%dma_wait3A_187, %dma_wait3A_188] : memref<320000x256xf32, #tpu.memory_space<hbm>> -> memref<80x128xf32, #tpu.memory_space<hbm>>
          %dma_wait3A_190 = arith.constant 0 : i32
          %dma_wait3A_191 = arith.constant 0 : i32
          %dma_wait3A_192 = tpu.memref_slice %arg5[%dma_wait3A_190, %dma_wait3A_191] : memref<320000x256xf32, #tpu.memory_space<hbm>> -> memref<80x128xf32, #tpu.memory_space<hbm>>
          %dma_wait3A_193 = arith.constant 0 : i32
          %dma_wait3A_194 = arith.constant 0 : i32
          %dma_wait3A_195 = tpu.memref_slice %arg9[%dma_wait3A_182, %dma_wait3A_193, %dma_wait3A_194] : memref<2x80x128xf32, #tpu.memory_space<vmem>> -> memref<1x80x128xf32, #tpu.memory_space<vmem>>
          %dma_wait3A_196 = tpu.memref_squeeze %dma_wait3A_195 : memref<1x80x128xf32, #tpu.memory_space<vmem>> -> memref<80x128xf32, #tpu.memory_space<vmem>>
          tpu.wait_dma2 semaphore(%arg19 : memref<!tpu.dma_semaphore, #tpu.memory_space<semaphore_mem>>) src(%dma_wait3A_196 : memref<80x128xf32, #tpu.memory_space<vmem>>) dst(%dma_wait3A_192 : memref<80x128xf32, #tpu.memory_space<hbm>>)
          %dma_wait3A_197 = arith.constant 0 : i32
          %dma_wait3A_198 = arith.constant 0 : i32
          %dma_wait3A_199 = arith.constant 0 : i32
          %dma_wait3A_200 = tpu.memref_slice %arg10[%dma_wait3A_197, %dma_wait3A_198, %dma_wait3A_199] : memref<2x80x128xf32, #tpu.memory_space<vmem>> -> memref<1x80x128xf32, #tpu.memory_space<vmem>>
          %dma_wait3A_201 = tpu.memref_squeeze %dma_wait3A_200 : memref<1x80x128xf32, #tpu.memory_space<vmem>> -> memref<80x128xf32, #tpu.memory_space<vmem>>
          %dma_wait3A_202 = arith.constant 0 : i32
          %dma_wait3A_203 = arith.constant 128 : i32
          %dma_wait3A_204 = tpu.memref_slice %arg5[%dma_wait3A_202, %dma_wait3A_203] : memref<320000x256xf32, #tpu.memory_space<hbm>> -> memref<80x128xf32, #tpu.memory_space<hbm>>
          %dma_wait3A_205 = arith.constant 0 : i32
          %dma_wait3A_206 = arith.constant 128 : i32
          %dma_wait3A_207 = tpu.memref_slice %arg5[%dma_wait3A_205, %dma_wait3A_206] : memref<320000x256xf32, #tpu.memory_space<hbm>> -> memref<80x128xf32, #tpu.memory_space<hbm>>
          %dma_wait3A_208 = arith.constant 0 : i32
          %dma_wait3A_209 = arith.constant 0 : i32
          %dma_wait3A_210 = tpu.memref_slice %arg10[%dma_wait3A_197, %dma_wait3A_208, %dma_wait3A_209] : memref<2x80x128xf32, #tpu.memory_space<vmem>> -> memref<1x80x128xf32, #tpu.memory_space<vmem>>
          %dma_wait3A_211 = tpu.memref_squeeze %dma_wait3A_210 : memref<1x80x128xf32, #tpu.memory_space<vmem>> -> memref<80x128xf32, #tpu.memory_space<vmem>>
          tpu.wait_dma2 semaphore(%arg21 : memref<!tpu.dma_semaphore, #tpu.memory_space<semaphore_mem>>) src(%dma_wait3A_211 : memref<80x128xf32, #tpu.memory_space<vmem>>) dst(%dma_wait3A_207 : memref<80x128xf32, #tpu.memory_space<hbm>>)
        } else {
        }
        %dma_start3A = arith.constant 0 : i32
        %dma_start3A_159 = arith.constant 0 : i32
        %dma_start3A_160 = arith.constant 0 : i32
        %dma_start3A_161 = arith.constant 0 : i32
        %dma_start3A_162 = tpu.memref_slice %arg9[%dma_start3A_159, %dma_start3A_160, %dma_start3A_161] : memref<2x80x128xf32, #tpu.memory_space<vmem>> -> memref<1x80x128xf32, #tpu.memory_space<vmem>>
        %dma_start3A_163 = tpu.memref_squeeze %dma_start3A_162 : memref<1x80x128xf32, #tpu.memory_space<vmem>> -> memref<80x128xf32, #tpu.memory_space<vmem>>
        %dma_start3A_164 = arith.constant 0 : i32
        %dma_start3A_165 = tpu.memref_slice %arg7[%dma_start3A, %dma_start3A_164] : memref<2x80xi32, #tpu.memory_space<vmem>> -> memref<1x80xi32, #tpu.memory_space<vmem>>
        %dma_start3A_166 = tpu.memref_squeeze %dma_start3A_165 : memref<1x80xi32, #tpu.memory_space<vmem>> -> memref<80xi32, #tpu.memory_space<vmem>>
        %dma_start3A_167 = arith.constant 0 : i32
        %dma_start3A_168 = arith.constant 0 : i32
        %dma_start3A_169 = tpu.memref_slice %arg6[%dma_start3A_167, %dma_start3A_168] : memref<10000x128xf32, #tpu.memory_space<vmem_shared>> -> memref<10000x128xf32, #tpu.memory_space<vmem_shared>>
        tpu.enqueue_indirect_dma source(%dma_start3A_169 : memref<10000x128xf32, #tpu.memory_space<vmem_shared>>) target(%dma_start3A_163 : memref<80x128xf32, #tpu.memory_space<vmem>>) offsets(%dma_start3A_166 : memref<80xi32, #tpu.memory_space<vmem>>) semaphore(%arg15 : memref<!tpu.dma_semaphore, #tpu.memory_space<semaphore_mem>>)
        %dma_start3A_170 = arith.constant 0 : i32
        %dma_start3A_171 = arith.constant 0 : i32
        %dma_start3A_172 = arith.constant 0 : i32
        %dma_start3A_173 = arith.constant 0 : i32
        %dma_start3A_174 = tpu.memref_slice %arg10[%dma_start3A_171, %dma_start3A_172, %dma_start3A_173] : memref<2x80x128xf32, #tpu.memory_space<vmem>> -> memref<1x80x128xf32, #tpu.memory_space<vmem>>
        %dma_start3A_175 = tpu.memref_squeeze %dma_start3A_174 : memref<1x80x128xf32, #tpu.memory_space<vmem>> -> memref<80x128xf32, #tpu.memory_space<vmem>>
        %dma_start3A_176 = arith.constant 0 : i32
        %dma_start3A_177 = tpu.memref_slice %arg8[%dma_start3A_170, %dma_start3A_176] : memref<2x80xi32, #tpu.memory_space<vmem>> -> memref<1x80xi32, #tpu.memory_space<vmem>>
        %dma_start3A_178 = tpu.memref_squeeze %dma_start3A_177 : memref<1x80xi32, #tpu.memory_space<vmem>> -> memref<80xi32, #tpu.memory_space<vmem>>
        %dma_start3A_179 = arith.constant 0 : i32
        %dma_start3A_180 = arith.constant 0 : i32
        %dma_start3A_181 = tpu.memref_slice %arg6[%dma_start3A_179, %dma_start3A_180] : memref<10000x128xf32, #tpu.memory_space<vmem_shared>> -> memref<10000x128xf32, #tpu.memory_space<vmem_shared>>
        tpu.enqueue_indirect_dma source(%dma_start3A_181 : memref<10000x128xf32, #tpu.memory_space<vmem_shared>>) target(%dma_start3A_175 : memref<80x128xf32, #tpu.memory_space<vmem>>) offsets(%dma_start3A_178 : memref<80xi32, #tpu.memory_space<vmem>>) semaphore(%arg17 : memref<!tpu.dma_semaphore, #tpu.memory_space<semaphore_mem>>)
      } else {
      }
      %sub3A_114 = arith.constant 2 : i32
      %sub3A_115 = arith.subi %add3A_103, %sub3A_114 : i32
      %ge3A_116 = arith.constant 0 : i32
      %ge3A_117 = arith.cmpi sge, %sub3A_115, %ge3A_116 : i32
      %lt3A_118 = arith.constant 125 : i32
      %lt3A_119 = arith.cmpi slt, %sub3A_115, %lt3A_118 : i32
      %and3A_120 = arith.andi %ge3A_117, %lt3A_119 : i1
      %convert_element_type3A_121 = arith.extui %and3A_120 : i1 to i32
      %cond3A_122 = arith.constant 0 : i32
      %cond3A_123 = arith.cmpi ne, %convert_element_type3A_121, %cond3A_122 : i32
      scf.if %cond3A_123 {
        %dma_wait3A_132 = arith.constant 1 : i32
        %dma_wait3A_133 = arith.constant 1 : i32
        %dma_wait3A_134 = arith.constant 0 : i32
        %dma_wait3A_135 = arith.constant 0 : i32
        %dma_wait3A_136 = tpu.memref_slice %arg9[%dma_wait3A_133, %dma_wait3A_134, %dma_wait3A_135] : memref<2x80x128xf32, #tpu.memory_space<vmem>> -> memref<1x80x128xf32, #tpu.memory_space<vmem>>
        %dma_wait3A_137 = tpu.memref_squeeze %dma_wait3A_136 : memref<1x80x128xf32, #tpu.memory_space<vmem>> -> memref<80x128xf32, #tpu.memory_space<vmem>>
        %dma_wait3A_138 = arith.constant 0 : i32
        %dma_wait3A_139 = tpu.memref_slice %arg7[%dma_wait3A_132, %dma_wait3A_138] : memref<2x80xi32, #tpu.memory_space<vmem>> -> memref<1x80xi32, #tpu.memory_space<vmem>>
        %dma_wait3A_140 = tpu.memref_squeeze %dma_wait3A_139 : memref<1x80xi32, #tpu.memory_space<vmem>> -> memref<80xi32, #tpu.memory_space<vmem>>
        %dma_wait3A_141 = arith.constant 0 : i32
        %dma_wait3A_142 = arith.constant 0 : i32
        %dma_wait3A_143 = tpu.memref_slice %arg6[%dma_wait3A_141, %dma_wait3A_142] : memref<10000x128xf32, #tpu.memory_space<vmem_shared>> -> memref<10000x128xf32, #tpu.memory_space<vmem_shared>>
        tpu.wait_indirect_dma semaphore(%arg16 : memref<!tpu.dma_semaphore, #tpu.memory_space<semaphore_mem>>) src(%dma_wait3A_143 : memref<10000x128xf32, #tpu.memory_space<vmem_shared>>) dst(%dma_wait3A_137 : memref<80x128xf32, #tpu.memory_space<vmem>>)
        %dma_wait3A_144 = arith.constant 1 : i32
        %dma_wait3A_145 = arith.constant 1 : i32
        %dma_wait3A_146 = arith.constant 0 : i32
        %dma_wait3A_147 = arith.constant 0 : i32
        %dma_wait3A_148 = tpu.memref_slice %arg10[%dma_wait3A_145, %dma_wait3A_146, %dma_wait3A_147] : memref<2x80x128xf32, #tpu.memory_space<vmem>> -> memref<1x80x128xf32, #tpu.memory_space<vmem>>
        %dma_wait3A_149 = tpu.memref_squeeze %dma_wait3A_148 : memref<1x80x128xf32, #tpu.memory_space<vmem>> -> memref<80x128xf32, #tpu.memory_space<vmem>>
        %dma_wait3A_150 = arith.constant 0 : i32
        %dma_wait3A_151 = tpu.memref_slice %arg8[%dma_wait3A_144, %dma_wait3A_150] : memref<2x80xi32, #tpu.memory_space<vmem>> -> memref<1x80xi32, #tpu.memory_space<vmem>>
        %dma_wait3A_152 = tpu.memref_squeeze %dma_wait3A_151 : memref<1x80xi32, #tpu.memory_space<vmem>> -> memref<80xi32, #tpu.memory_space<vmem>>
        %dma_wait3A_153 = arith.constant 0 : i32
        %dma_wait3A_154 = arith.constant 0 : i32
        %dma_wait3A_155 = tpu.memref_slice %arg6[%dma_wait3A_153, %dma_wait3A_154] : memref<10000x128xf32, #tpu.memory_space<vmem_shared>> -> memref<10000x128xf32, #tpu.memory_space<vmem_shared>>
        tpu.wait_indirect_dma semaphore(%arg18 : memref<!tpu.dma_semaphore, #tpu.memory_space<semaphore_mem>>) src(%dma_wait3A_155 : memref<10000x128xf32, #tpu.memory_space<vmem_shared>>) dst(%dma_wait3A_149 : memref<80x128xf32, #tpu.memory_space<vmem>>)
        %mul3A_156 = arith.constant 32 : i32
        %mul3A_157 = arith.muli %sub3A_115, %mul3A_156 : i32
        %add3A_158 = arith.addi %mul3A_157, %add3A : i32
        %mul3A_159 = arith.constant 80 : i32
        %mul3A_160 = arith.muli %add3A_158, %mul3A_159 : i32
        %dma_start3A = arith.constant 1 : i32
        %dma_start3A_161 = arith.constant 0 : i32
        %dma_start3A_162 = arith.constant 0 : i32
        %dma_start3A_163 = tpu.memref_slice %arg9[%dma_start3A, %dma_start3A_161, %dma_start3A_162] : memref<2x80x128xf32, #tpu.memory_space<vmem>> -> memref<1x80x128xf32, #tpu.memory_space<vmem>>
        %dma_start3A_164 = tpu.memref_squeeze %dma_start3A_163 : memref<1x80x128xf32, #tpu.memory_space<vmem>> -> memref<80x128xf32, #tpu.memory_space<vmem>>
        %dma_start3A_165 = arith.constant 0 : i32
        %dma_start3A_166 = tpu.memref_slice %arg5[%mul3A_160, %dma_start3A_165] : memref<320000x256xf32, #tpu.memory_space<hbm>> -> memref<80x128xf32, #tpu.memory_space<hbm>>
        %dma_start3A_167 = arith.constant 0 : i32
        %dma_start3A_168 = tpu.memref_slice %arg5[%mul3A_160, %dma_start3A_167] : memref<320000x256xf32, #tpu.memory_space<hbm>> -> memref<80x128xf32, #tpu.memory_space<hbm>>
        %dma_start3A_169 = arith.constant 0 : i32
        %dma_start3A_170 = arith.constant 0 : i32
        %dma_start3A_171 = tpu.memref_slice %arg9[%dma_start3A, %dma_start3A_169, %dma_start3A_170] : memref<2x80x128xf32, #tpu.memory_space<vmem>> -> memref<1x80x128xf32, #tpu.memory_space<vmem>>
        %dma_start3A_172 = tpu.memref_squeeze %dma_start3A_171 : memref<1x80x128xf32, #tpu.memory_space<vmem>> -> memref<80x128xf32, #tpu.memory_space<vmem>>
        tpu.enqueue_dma source(%dma_start3A_172 : memref<80x128xf32, #tpu.memory_space<vmem>>) target(%dma_start3A_168 : memref<80x128xf32, #tpu.memory_space<hbm>>) target_semaphore(%arg20 : memref<!tpu.dma_semaphore, #tpu.memory_space<semaphore_mem>>)
        %dma_start3A_173 = arith.constant 1 : i32
        %dma_start3A_174 = arith.constant 0 : i32
        %dma_start3A_175 = arith.constant 0 : i32
        %dma_start3A_176 = tpu.memref_slice %arg10[%dma_start3A_173, %dma_start3A_174, %dma_start3A_175] : memref<2x80x128xf32, #tpu.memory_space<vmem>> -> memref<1x80x128xf32, #tpu.memory_space<vmem>>
        %dma_start3A_177 = tpu.memref_squeeze %dma_start3A_176 : memref<1x80x128xf32, #tpu.memory_space<vmem>> -> memref<80x128xf32, #tpu.memory_space<vmem>>
        %dma_start3A_178 = arith.constant 128 : i32
        %dma_start3A_179 = tpu.memref_slice %arg5[%mul3A_160, %dma_start3A_178] : memref<320000x256xf32, #tpu.memory_space<hbm>> -> memref<80x128xf32, #tpu.memory_space<hbm>>
        %dma_start3A_180 = arith.constant 128 : i32
        %dma_start3A_181 = tpu.memref_slice %arg5[%mul3A_160, %dma_start3A_180] : memref<320000x256xf32, #tpu.memory_space<hbm>> -> memref<80x128xf32, #tpu.memory_space<hbm>>
        %dma_start3A_182 = arith.constant 0 : i32
        %dma_start3A_183 = arith.constant 0 : i32
        %dma_start3A_184 = tpu.memref_slice %arg10[%dma_start3A_173, %dma_start3A_182, %dma_start3A_183] : memref<2x80x128xf32, #tpu.memory_space<vmem>> -> memref<1x80x128xf32, #tpu.memory_space<vmem>>
        %dma_start3A_185 = tpu.memref_squeeze %dma_start3A_184 : memref<1x80x128xf32, #tpu.memory_space<vmem>> -> memref<80x128xf32, #tpu.memory_space<vmem>>
        tpu.enqueue_dma source(%dma_start3A_185 : memref<80x128xf32, #tpu.memory_space<vmem>>) target(%dma_start3A_181 : memref<80x128xf32, #tpu.memory_space<hbm>>) target_semaphore(%arg22 : memref<!tpu.dma_semaphore, #tpu.memory_space<semaphore_mem>>)
      } else {
      }
      %ge3A_124 = arith.constant 0 : i32
      %ge3A_125 = arith.cmpi sge, %add3A_103, %ge3A_124 : i32
      %lt3A_126 = arith.constant 125 : i32
      %lt3A_127 = arith.cmpi slt, %add3A_103, %lt3A_126 : i32
      %and3A_128 = arith.andi %ge3A_125, %lt3A_127 : i1
      %convert_element_type3A_129 = arith.extui %and3A_128 : i1 to i32
      %cond3A_130 = arith.constant 0 : i32
      %cond3A_131 = arith.cmpi ne, %convert_element_type3A_129, %cond3A_130 : i32
      scf.if %cond3A_131 {
        %mul3A_132 = arith.constant 32 : i32
        %mul3A_133 = arith.muli %add3A_103, %mul3A_132 : i32
        %add3A_134 = arith.addi %mul3A_133, %add3A : i32
        %mul3A_135 = arith.constant 80 : i32
        %mul3A_136 = arith.muli %add3A_134, %mul3A_135 : i32
        %dma_start3A = arith.constant 1 : i32
        %dma_start3A_137 = arith.constant 0 : i32
        %dma_start3A_138 = tpu.memref_slice %arg7[%dma_start3A, %dma_start3A_137] : memref<2x80xi32, #tpu.memory_space<vmem>> -> memref<1x80xi32, #tpu.memory_space<vmem>>
        %dma_start3A_139 = tpu.memref_squeeze %dma_start3A_138 : memref<1x80xi32, #tpu.memory_space<vmem>> -> memref<80xi32, #tpu.memory_space<vmem>>
        %dma_start3A_140 = tpu.memref_slice %arg4[%mul3A_136] : memref<320000xi32, #tpu.memory_space<hbm>> -> memref<80xi32, #tpu.memory_space<hbm>>
        %dma_start3A_141 = arith.constant 0 : i32
        %dma_start3A_142 = tpu.memref_slice %arg7[%dma_start3A, %dma_start3A_141] : memref<2x80xi32, #tpu.memory_space<vmem>> -> memref<1x80xi32, #tpu.memory_space<vmem>>
        %dma_start3A_143 = tpu.memref_squeeze %dma_start3A_142 : memref<1x80xi32, #tpu.memory_space<vmem>> -> memref<80xi32, #tpu.memory_space<vmem>>
        %dma_start3A_144 = tpu.memref_slice %arg4[%mul3A_136] : memref<320000xi32, #tpu.memory_space<hbm>> -> memref<80xi32, #tpu.memory_space<hbm>>
        tpu.enqueue_dma source(%dma_start3A_144 : memref<80xi32, #tpu.memory_space<hbm>>) target(%dma_start3A_143 : memref<80xi32, #tpu.memory_space<vmem>>) target_semaphore(%arg12 : memref<!tpu.dma_semaphore, #tpu.memory_space<semaphore_mem>>)
        %dma_start3A_145 = arith.constant 1 : i32
        %dma_start3A_146 = arith.constant 0 : i32
        %dma_start3A_147 = tpu.memref_slice %arg8[%dma_start3A_145, %dma_start3A_146] : memref<2x80xi32, #tpu.memory_space<vmem>> -> memref<1x80xi32, #tpu.memory_space<vmem>>
        %dma_start3A_148 = tpu.memref_squeeze %dma_start3A_147 : memref<1x80xi32, #tpu.memory_space<vmem>> -> memref<80xi32, #tpu.memory_space<vmem>>
        %dma_start3A_149 = tpu.memref_slice %arg3[%mul3A_136] : memref<320000xi32, #tpu.memory_space<hbm>> -> memref<80xi32, #tpu.memory_space<hbm>>
        %dma_start3A_150 = arith.constant 0 : i32
        %dma_start3A_151 = tpu.memref_slice %arg8[%dma_start3A_145, %dma_start3A_150] : memref<2x80xi32, #tpu.memory_space<vmem>> -> memref<1x80xi32, #tpu.memory_space<vmem>>
        %dma_start3A_152 = tpu.memref_squeeze %dma_start3A_151 : memref<1x80xi32, #tpu.memory_space<vmem>> -> memref<80xi32, #tpu.memory_space<vmem>>
        %dma_start3A_153 = tpu.memref_slice %arg3[%mul3A_136] : memref<320000xi32, #tpu.memory_space<hbm>> -> memref<80xi32, #tpu.memory_space<hbm>>
        tpu.enqueue_dma source(%dma_start3A_153 : memref<80xi32, #tpu.memory_space<hbm>>) target(%dma_start3A_152 : memref<80xi32, #tpu.memory_space<vmem>>) target_semaphore(%arg14 : memref<!tpu.dma_semaphore, #tpu.memory_space<semaphore_mem>>)
      } else {
      }
    }
    %scan3A_11 = arith.constant 64 : i32
    %dma_wait3A = arith.constant 0 : i32
    %dma_wait3A_12 = arith.constant 0 : i32
    %dma_wait3A_13 = arith.constant 0 : i32
    %dma_wait3A_14 = tpu.memref_slice %arg9[%dma_wait3A, %dma_wait3A_12, %dma_wait3A_13] : memref<2x80x128xf32, #tpu.memory_space<vmem>> -> memref<1x80x128xf32, #tpu.memory_space<vmem>>
    %dma_wait3A_15 = tpu.memref_squeeze %dma_wait3A_14 : memref<1x80x128xf32, #tpu.memory_space<vmem>> -> memref<80x128xf32, #tpu.memory_space<vmem>>
    %dma_wait3A_16 = arith.constant 0 : i32
    %dma_wait3A_17 = arith.constant 0 : i32
    %dma_wait3A_18 = tpu.memref_slice %arg5[%dma_wait3A_16, %dma_wait3A_17] : memref<320000x256xf32, #tpu.memory_space<hbm>> -> memref<80x128xf32, #tpu.memory_space<hbm>>
    %dma_wait3A_19 = arith.constant 0 : i32
    %dma_wait3A_20 = arith.constant 0 : i32
    %dma_wait3A_21 = tpu.memref_slice %arg5[%dma_wait3A_19, %dma_wait3A_20] : memref<320000x256xf32, #tpu.memory_space<hbm>> -> memref<80x128xf32, #tpu.memory_space<hbm>>
    %dma_wait3A_22 = arith.constant 0 : i32
    %dma_wait3A_23 = arith.constant 0 : i32
    %dma_wait3A_24 = tpu.memref_slice %arg9[%dma_wait3A, %dma_wait3A_22, %dma_wait3A_23] : memref<2x80x128xf32, #tpu.memory_space<vmem>> -> memref<1x80x128xf32, #tpu.memory_space<vmem>>
    %dma_wait3A_25 = tpu.memref_squeeze %dma_wait3A_24 : memref<1x80x128xf32, #tpu.memory_space<vmem>> -> memref<80x128xf32, #tpu.memory_space<vmem>>
    tpu.wait_dma2 semaphore(%arg19 : memref<!tpu.dma_semaphore, #tpu.memory_space<semaphore_mem>>) src(%dma_wait3A_25 : memref<80x128xf32, #tpu.memory_space<vmem>>) dst(%dma_wait3A_21 : memref<80x128xf32, #tpu.memory_space<hbm>>)
    %dma_wait3A_26 = arith.constant 0 : i32
    %dma_wait3A_27 = arith.constant 0 : i32
    %dma_wait3A_28 = arith.constant 0 : i32
    %dma_wait3A_29 = tpu.memref_slice %arg10[%dma_wait3A_26, %dma_wait3A_27, %dma_wait3A_28] : memref<2x80x128xf32, #tpu.memory_space<vmem>> -> memref<1x80x128xf32, #tpu.memory_space<vmem>>
    %dma_wait3A_30 = tpu.memref_squeeze %dma_wait3A_29 : memref<1x80x128xf32, #tpu.memory_space<vmem>> -> memref<80x128xf32, #tpu.memory_space<vmem>>
    %dma_wait3A_31 = arith.constant 0 : i32
    %dma_wait3A_32 = arith.constant 128 : i32
    %dma_wait3A_33 = tpu.memref_slice %arg5[%dma_wait3A_31, %dma_wait3A_32] : memref<320000x256xf32, #tpu.memory_space<hbm>> -> memref<80x128xf32, #tpu.memory_space<hbm>>
    %dma_wait3A_34 = arith.constant 0 : i32
    %dma_wait3A_35 = arith.constant 128 : i32
    %dma_wait3A_36 = tpu.memref_slice %arg5[%dma_wait3A_34, %dma_wait3A_35] : memref<320000x256xf32, #tpu.memory_space<hbm>> -> memref<80x128xf32, #tpu.memory_space<hbm>>
    %dma_wait3A_37 = arith.constant 0 : i32
    %dma_wait3A_38 = arith.constant 0 : i32
    %dma_wait3A_39 = tpu.memref_slice %arg10[%dma_wait3A_26, %dma_wait3A_37, %dma_wait3A_38] : memref<2x80x128xf32, #tpu.memory_space<vmem>> -> memref<1x80x128xf32, #tpu.memory_space<vmem>>
    %dma_wait3A_40 = tpu.memref_squeeze %dma_wait3A_39 : memref<1x80x128xf32, #tpu.memory_space<vmem>> -> memref<80x128xf32, #tpu.memory_space<vmem>>
    tpu.wait_dma2 semaphore(%arg21 : memref<!tpu.dma_semaphore, #tpu.memory_space<semaphore_mem>>) src(%dma_wait3A_40 : memref<80x128xf32, #tpu.memory_space<vmem>>) dst(%dma_wait3A_36 : memref<80x128xf32, #tpu.memory_space<hbm>>)
    %dma_wait3A_41 = arith.constant 1 : i32
    %dma_wait3A_42 = arith.constant 0 : i32
    %dma_wait3A_43 = arith.constant 0 : i32
    %dma_wait3A_44 = tpu.memref_slice %arg9[%dma_wait3A_41, %dma_wait3A_42, %dma_wait3A_43] : memref<2x80x128xf32, #tpu.memory_space<vmem>> -> memref<1x80x128xf32, #tpu.memory_space<vmem>>
    %dma_wait3A_45 = tpu.memref_squeeze %dma_wait3A_44 : memref<1x80x128xf32, #tpu.memory_space<vmem>> -> memref<80x128xf32, #tpu.memory_space<vmem>>
    %dma_wait3A_46 = arith.constant 0 : i32
    %dma_wait3A_47 = arith.constant 0 : i32
    %dma_wait3A_48 = tpu.memref_slice %arg5[%dma_wait3A_46, %dma_wait3A_47] : memref<320000x256xf32, #tpu.memory_space<hbm>> -> memref<80x128xf32, #tpu.memory_space<hbm>>
    %dma_wait3A_49 = arith.constant 0 : i32
    %dma_wait3A_50 = arith.constant 0 : i32
    %dma_wait3A_51 = tpu.memref_slice %arg5[%dma_wait3A_49, %dma_wait3A_50] : memref<320000x256xf32, #tpu.memory_space<hbm>> -> memref<80x128xf32, #tpu.memory_space<hbm>>
    %dma_wait3A_52 = arith.constant 0 : i32
    %dma_wait3A_53 = arith.constant 0 : i32
    %dma_wait3A_54 = tpu.memref_slice %arg9[%dma_wait3A_41, %dma_wait3A_52, %dma_wait3A_53] : memref<2x80x128xf32, #tpu.memory_space<vmem>> -> memref<1x80x128xf32, #tpu.memory_space<vmem>>
    %dma_wait3A_55 = tpu.memref_squeeze %dma_wait3A_54 : memref<1x80x128xf32, #tpu.memory_space<vmem>> -> memref<80x128xf32, #tpu.memory_space<vmem>>
    tpu.wait_dma2 semaphore(%arg20 : memref<!tpu.dma_semaphore, #tpu.memory_space<semaphore_mem>>) src(%dma_wait3A_55 : memref<80x128xf32, #tpu.memory_space<vmem>>) dst(%dma_wait3A_51 : memref<80x128xf32, #tpu.memory_space<hbm>>)
    %dma_wait3A_56 = arith.constant 1 : i32
    %dma_wait3A_57 = arith.constant 0 : i32
    %dma_wait3A_58 = arith.constant 0 : i32
    %dma_wait3A_59 = tpu.memref_slice %arg10[%dma_wait3A_56, %dma_wait3A_57, %dma_wait3A_58] : memref<2x80x128xf32, #tpu.memory_space<vmem>> -> memref<1x80x128xf32, #tpu.memory_space<vmem>>
    %dma_wait3A_60 = tpu.memref_squeeze %dma_wait3A_59 : memref<1x80x128xf32, #tpu.memory_space<vmem>> -> memref<80x128xf32, #tpu.memory_space<vmem>>
    %dma_wait3A_61 = arith.constant 0 : i32
    %dma_wait3A_62 = arith.constant 128 : i32
    %dma_wait3A_63 = tpu.memref_slice %arg5[%dma_wait3A_61, %dma_wait3A_62] : memref<320000x256xf32, #tpu.memory_space<hbm>> -> memref<80x128xf32, #tpu.memory_space<hbm>>
    %dma_wait3A_64 = arith.constant 0 : i32
    %dma_wait3A_65 = arith.constant 128 : i32
    %dma_wait3A_66 = tpu.memref_slice %arg5[%dma_wait3A_64, %dma_wait3A_65] : memref<320000x256xf32, #tpu.memory_space<hbm>> -> memref<80x128xf32, #tpu.memory_space<hbm>>
    %dma_wait3A_67 = arith.constant 0 : i32
    %dma_wait3A_68 = arith.constant 0 : i32
    %dma_wait3A_69 = tpu.memref_slice %arg10[%dma_wait3A_56, %dma_wait3A_67, %dma_wait3A_68] : memref<2x80x128xf32, #tpu.memory_space<vmem>> -> memref<1x80x128xf32, #tpu.memory_space<vmem>>
    %dma_wait3A_70 = tpu.memref_squeeze %dma_wait3A_69 : memref<1x80x128xf32, #tpu.memory_space<vmem>> -> memref<80x128xf32, #tpu.memory_space<vmem>>
    tpu.wait_dma2 semaphore(%arg22 : memref<!tpu.dma_semaphore, #tpu.memory_space<semaphore_mem>>) src(%dma_wait3A_70 : memref<80x128xf32, #tpu.memory_space<vmem>>) dst(%dma_wait3A_66 : memref<80x128xf32, #tpu.memory_space<hbm>>)
    return
  }
}

</mosaic_0001>

<sc_bundles>
// kernel: kernel.3.cloned.1.call-start
scs
__scs_entry_jumppad:
0x0: {  	(pc) =	sbr.rel $0x88, $3  }
0x1: {  	(tag) =	ssettag $0x0;
	lr =	simm.s32 $0x1  }
0x2: {  	[smem:$0x3F9E] =	sst lr;
	_ =	strace $0xD0000000  }
0x3: {  	_ = 	snop  }
0x4: {  	_ = 	snop  }
0x5: {  	_ = 	snop  }
0x6: {  	_ = 	snop  }
0x7: {  	_ = 	snop  }
__scs_overlays_trampoline_lowered:
0x8: {  	[smem:$0x3FAD] =	sst s0  }
0x9: {  	[smem:$0x3FAE] =	sst s1  }
0xa: {  	[smem:$0x3FAF] =	sst s2  }
0xb: {  	[smem:$0x3FB0] =	sst s3  }
0xc: {  	[smem:$0x3FB1] =	sst s4  }
0xd: {  	[smem:$0x3FB2] =	sst s5  }
0xe: {  	[smem:$0x3FB3] =	sst s6  }
0xf: {  	[smem:$0x3FB4] =	sst s7  }
0x10: {  	[smem:$0x3FB5] =	sst s8  }
0x11: {  	[smem:$0x3FB6] =	sst s9;
	s0 =	simm.s32 @!p0 $0x0  }
0x12: {  	s1 =	sld [smem:$0x3F9C];
	s0 =	simm.s32 @p0 $0x1  }
0x13: {  	[smem:$0x3FB7] =	sst s0;
	s0 =	simm.s32 @!p1 $0x0  }
0x14: {  	s2 =	sld [smem:$0x3F9B];
	s0 =	simm.s32 @p1 $0x1  }
0x15: {  	[smem:$0x3FB8] =	sst s0;
	s0 =	simm.s32 @!p2 $0x0  }
0x16: {  	s3 =	sld [smem:$0x3FDB];
	s0 =	simm.s32 @p2 $0x1  }
0x17: {  	s4 =	simm.s32 $0x1BF5;
	[smem:$0x3FBA] =	sst s0  }
0x18: {  	s0 =	sld [smem:$0x3F9D];
	_ =	swait.ge [sflag:s4], $0x0  }
0x19: {  	s7 =	sld [smem:$0x3F9E]  }
0x1a: {  	s8 =	sadd.s32 $0xFFFFE003, lr  }
0x1b: {  	s9 =	sadd.s32 $0xFFFFFEF7, lr;
	s5 =	simm.s32 $0xFFFFFFFF;
	p2 =	slt.u32 s8, $0xFFFFF086  }
0x1c: {  	p1 =	slt.u32 s9, $0xF7A;
	s5 =	simm.s32 @!p2 $0x0  }
0x1d: {  	s5 =	simm.s32 @p1 $0x1;
	p0 =	seq.s32 s7, s2  }
0x1e: {  	s7 =	smul.u32 @!p0 $0xF7A, s2;
	p2 =	seq.s32 @!p0 s5, $0x0  }
0x1f: {  	s9 =	smul.u32 $0xF7A, s1;
	s8 =	simm.s32 @!p0 $0x1BF5;
	p2 =	por !p2, p0  }
0x20: {  	[sflag:s8] =	ssyncset.s32 @!p0 $0xFFFFF086;
	s6 =	sadd.s32 @!p0 s3, s7;
	s7 =	simm.s32 @!p0 $0x108  }
0x21: {  	s3 =	sadd.s32 s3, s9;
	s6 =	sadd.s32 @!p0 $0x88, s6;
	s7 =	simm.s32 @p2 $0x1082  }
0x22: {  	[simem:s7], [sflag:s8] =	dma.local @!p0 [hbm:s6], $0xF7A  }
0x23: {  	s9 =	sor.u32 $0xD0000000, s2;
	s6 =	simm.s32 $0x108;
	_ =	swait.ge @!p0 [sflag:s8], $0x0  }
0x24: {  	s3 =	sadd.s32 $0x88, s3;
	s6 =	simm.s32 @!p1 $0x1082;
	[sflag:s4] =	ssyncset.s32 $0xFFFFF086  }
0x25: {  	[simem:s6], [sflag:s4] =	dma.local [hbm:s3], $0xF7A  }
0x26: {  	[smem:$0x3F9E] =	sst s1;
	(tag) =	ssettag s2;
	_ =	strace s9  }
0x27: {  	s1 =	sld [smem:$0x3FAE]  }
0x28: {  	s2 =	sld [smem:$0x3FAF]  }
0x29: {  	s4 =	sld [smem:$0x3FB1]  }
0x2a: {  	p0 =	seq.s32 s5, $0x0;
	s5 =	sld [smem:$0x3FB2]  }
0x2b: {  	s6 =	sld [smem:$0x3FB3]  }
0x2c: {  	s7 =	sld [smem:$0x3FB4]  }
0x2d: {  	s3 =	simm.s32 $0x108;
	s8 =	sld [smem:$0x3FB5]  }
0x2e: {  	s3 =	simm.s32 @!p0 $0x1082;
	s9 =	sld [smem:$0x3FB6]  }
0x2f: {  	lr =	sadd.s32 s0, s3;
	s0 =	sld [smem:$0x3FAD]  }
0x30: {  	s3 =	sld [smem:$0x3FB0]  }
0x31: {  	[smem:$0x3FB9] =	sst s10  }
0x32: {  	s10 =	sld [smem:$0x3FB7];
	_ =	sdelay $0x3  }
0x33: {  	p0 =	seq.s32 s10, $0x1;
	s10 =	sld [smem:$0x3FB9];
	_ =	sdelay $0x3  }
0x34: {  	[smem:$0x3FB9] =	sst s10  }
0x35: {  	s10 =	sld [smem:$0x3FB8];
	_ =	sdelay $0x3  }
0x36: {  	p1 =	seq.s32 s10, $0x1;
	s10 =	sld [smem:$0x3FB9];
	_ =	sdelay $0x3  }
0x37: {  	[smem:$0x3FB9] =	sst s10  }
0x38: {  	s10 =	sld [smem:$0x3FBA]  }
0x39: {  	_ = 	snop;
	(pc) =	sbr.ind lr, $3  }
0x3a: {  	_ = 	snop  }
0x3b: {  	_ = 	snop  }
0x3c: {  	p2 =	seq.s32 s10, $0x1;
	s10 =	sld [smem:$0x3FB9]  }
0x3d: {  	_ =	shalt  }
0x3e: {  	_ =	shalt  }
0x3f: {  	_ =	shalt  }
0x40: {  	_ =	shalt  }
0x41: {  	_ =	shalt  }
0x42: {  	_ =	shalt  }
0x43: {  	_ =	shalt  }
0x44: {  	_ =	shalt  }
0x45: {  	_ =	shalt  }
0x46: {  	_ =	shalt  }
0x47: {  	_ =	shalt  }
0x48: {  	_ =	shalt  }
0x49: {  	_ =	shalt  }
0x4a: {  	_ =	shalt  }
0x4b: {  	_ =	shalt  }
0x4c: {  	_ =	shalt  }
0x4d: {  	_ =	shalt  }
0x4e: {  	_ =	shalt  }
0x4f: {  	_ =	shalt  }
0x50: {  	_ =	shalt  }
0x51: {  	_ =	shalt  }
0x52: {  	_ =	shalt  }
0x53: {  	_ =	shalt  }
0x54: {  	_ =	shalt  }
0x55: {  	_ =	shalt  }
0x56: {  	_ =	shalt  }
0x57: {  	_ =	shalt  }
0x58: {  	_ =	shalt  }
0x59: {  	_ =	shalt  }
0x5a: {  	_ =	shalt  }
0x5b: {  	_ =	shalt  }
0x5c: {  	_ =	shalt  }
0x5d: {  	_ =	shalt  }
0x5e: {  	_ =	shalt  }
0x5f: {  	_ =	shalt  }
0x60: {  	_ =	shalt  }
0x61: {  	_ =	shalt  }
0x62: {  	_ =	shalt  }
0x63: {  	_ =	shalt  }
0x64: {  	_ =	shalt  }
0x65: {  	_ =	shalt  }
0x66: {  	_ =	shalt  }
0x67: {  	_ =	shalt  }
0x68: {  	_ =	shalt  }
0x69: {  	_ =	shalt  }
0x6a: {  	_ =	shalt  }
0x6b: {  	_ =	shalt  }
0x6c: {  	_ =	shalt  }
0x6d: {  	_ =	shalt  }
0x6e: {  	_ =	shalt  }
0x6f: {  	_ =	shalt  }
0x70: {  	_ =	shalt  }
0x71: {  	_ =	shalt  }
0x72: {  	_ =	shalt  }
0x73: {  	_ =	shalt  }
0x74: {  	_ =	shalt  }
0x75: {  	_ =	shalt  }
0x76: {  	_ =	shalt  }
0x77: {  	_ =	shalt  }
0x78: {  	_ =	shalt  }
0x79: {  	_ =	shalt  }
0x7a: {  	_ =	shalt  }
0x7b: {  	_ =	shalt  }
0x7c: {  	_ =	shalt  }
0x7d: {  	_ =	shalt  }
0x7e: {  	_ =	shalt  }
0x7f: {  	_ =	shalt  }
0x80: {  	_ =	shalt  }
0x81: {  	_ =	shalt  }
0x82: {  	_ =	shalt  }
0x83: {  	_ =	shalt  }
0x84: {  	_ =	shalt  }
0x85: {  	_ =	shalt  }
0x86: {  	_ =	shalt  }
0x87: {  	_ =	shalt  }
.Lfunc_end0:
.L_simem_size_0:
called_computation_lowered:
.L_overlay_start_0:
0x88: {  	s2 =	sld [smem:$0x3FD9]  }
0x89: {  	s3 =	sld [smem:$0x3FFE];
	_ =	sdelay $0x1  }
0x8a: {  	s1 =	srdreg.scid  }
0x8b: {  	s0 =	sand.u32 $0x1, s1  }
0x8c: {  	s18 =	sshll.u32 s0, $0xA;
	s2 =	sadd.s32 s3, s2  }
0x8d: {  	s2 =	sadd.s32 s2, s18  }
0x8e: {  	[smem:$0x3FC5] =	sst s2  }
0x8f: {  	_ = 	snop  }
0x90: {  	s2 =	sld [smem:$0x3FC9]  }
0x91: {  	s19 =	sld [smem:$0x3FC8]  }
0x92: {  	s4 =	sld [smem:$0x3FC7]  }
0x93: {  	s5 =	sld [smem:$0x3FD0];
	(tm) =	ssettm $0x1  }
0x94: {  	s6 =	sld [smem:$0x3FFB];
	_ =	sdelay $0x3  }
0x95: {  	_ =	strace s6  }
0x96: {  	s6 =	sld [smem:$0x3FFC];
	_ =	sdelay $0x3  }
0x97: {  	_ =	strace s6  }
0x98: {  	s6 =	sld [smem:$0x3FFD];
	_ =	sdelay $0x3  }
0x99: {  	_ =	strace s6  }
0x9a: {  	_ =	strace $0x8FFFFFFF  }
0x9b: {  	s20 =	sld [smem:$0x3FDB];
	_ =	sdelay $0x1  }
0x9c: {  	s7 =	simm.s32 $_scs_section_size  }
0x9d: {  	s8 =	simm.s32 $_size__tile_overlayer_lowered;
	s9 =	simm.s32 $_tile_overlayer_lowered  }
0x9e: {  	s23 =	simm.s32 $0x1BFF;
	s22 =	sshll.u32 s9, $0x1;
	s6 =	sadd.s32 s7, s20  }
0x9f: {  	s10 =	simm.s32 $0x0;
	s21 =	sshll.u32 s8, $0x1;
	s8 =	sadd.s32 s22, s6  }
0xa0: {  	[timem:s10], [sflag:s23] =	dma.local [hbm:s8], s21  }
0xa1: {  	_ =	swait.ge [sflag:s23], s21  }
0xa2: {  	s7 =	ssub.s32 $0x0, s21;
	[sflag:s23] =	ssyncset.done $0x0  }
0xa3: {  	[sflag:s23] =	ssyncadd.s32 s7;
	_ =	sdelay $0x1  }
0xa4: {  	s24 =	simm.s32 $0x1B8B  }
0xa5: {  	_ =	swait.ge [sflag:s24], $0x1  }
0xa6: {  	[sflag:s24] =	ssyncset.done $0x0  }
0xa7: {  	s25 =	simm.s32 $0x1B8E;
	[sflag:s24] =	ssyncadd.s32 $0xFFFFFFFF  }
0xa8: {  	s26 =	simm.s32 $execute0_lowered;
	[smem:$0x3FD2] =	sst s25  }
0xa9: {  	s7 =	sshll.u32 s26, $0x1;
	_ =	strace $0x80000046;
	[dreg:$0x1] =	wrdreg $0xFFFFFFFF  }
0xaa: {  	s28 =	simm.s32 $_size_execute0_lowered;
	s6 =	sadd.s32 s6, s7;
	[dreg:$0x0] =	wrdreg $0x0  }
0xab: {  	s7 =	sshll.u32 s28, $0x1;
	[dreg:$0x2] =	wrdreg s6  }
0xac: {  	[dreg:$0x3] =	wrdreg s7  }
0xad: {  	[dreg:$0x4] =	wrdreg $0xC0  }
0xae: {  	_ =	task [dreg:s10], $0x5FFFF  }
0xaf: {  	[dreg:$0x1] =	wrdreg $0xFFFFFFFF  }
0xb0: {  	[dreg:$0x0] =	wrdreg $0x60  }
0xb1: {  	[dreg:$0x2] =	wrdreg s2  }
0xb2: {  	[dreg:$0x3] =	wrdreg s19  }
0xb3: {  	[dreg:$0x4] =	wrdreg s4  }
0xb4: {  	[dreg:$0x5] =	wrdreg s5  }
0xb5: {  	[dreg:$0x6] =	wrdreg $0x0  }
0xb6: {  	[dreg:$0x7] =	wrdreg $0x9  }
0xb7: {  	_ =	task.clear_ibuf [dreg:s10], $0x8FFFF;
	_ =	strace $0x90000046  }
0xb8: {  	s29 =	simm.s32 $0x9;
	_ =	strace $0x80000048  }
0xb9: {  	_ =	swait.ge [sflag:s29], $0x1  }
0xba: {  	[sflag:s29] =	ssyncadd.s32 $0xFFFFFFFF  }
0xbb: {  	_ =	strace $0x90000048  }
0xbc: {  	_ =	sfence  }
0xbd: {  	s30 =	sld [smem:$0x0];
	_ =	sdelay $0x2  }
0xbe: {  	s31 =	sshll.u32 s1, $0xD;
	s1 =	sshrl.u32 s1, $0x2  }
0xbf: {  	s3 =	sand.u32 $0x4000, s31;
	s1 =	sadd.s32 s1, s30  }
0xc0: {  	s0 =	sor.u32 s3, s0;
	s1 =	sshll.u32 s1, $0x11  }
0xc1: {  	s0 =	sor.u32 s1, s0  }
0xc2: {  	s0 =	sadd.s32 $0x8F2B, s0  }
0xc3: {  	[sflag:s0] =	ssyncadd.remote.s32 $0x1  }
0xc4: {  	_ =	sfence.sel $0xFFFF  }
0xc5: {  	[dreg:$0x0] =	wrdreg $0xFFFFFFFF;
	(pc) =	sbr.abs _section_cstart, $3  }
0xc6: {  	[dreg:$0x1] =	wrdreg $0xFFFFFFFF  }
0xc7: {  	_ =	task.clear_ibuf [dreg:s10], $0x2FFFF;
	_ =	strace $0x9FFFFFFF  }
0xc8: {  	(tm) =	ssettm $0x7FFFFFFF  }
0xc9: {  	_ =	shalt  }
tec
execute0_lowered:
.L_overlay_start_1:
0x0: {  	(tag) =	ssettag $0x1  }
0x1: {  	s0 =	rddreg [dreg:$0x0]  }
0x2: {  	s1 =	rddreg [dreg:$0x1]  }
0x3: {  	s2 =	rddreg [dreg:$0x2]  }
0x4: {  	s5 =	rddreg [dreg:$0x3]  }
0x5: {  	s3 =	rddreg [dreg:$0x4]  }
0x6: {  	s6 =	srdreg.scid;
	s4 =	simm.s32 $0x0;
	s7 =	stileid.u32  }
0x7: {  	s16 =	simm.s32 $0xB;
	s17 =	simm.s32 $0xA;
	s8 =	smul.u32 $0x4E000, s7  }
0x8: {  	s18 =	simm.s32 $0xC;
	s9 =	sand.u32 $0x1, s6;
	s12 =	smul.u32 $0x2700, s7  }
0x9: {  	[smem:$0x7FF] =	sst s4;
	s11 =	sshll.u32 s7, $0x1;
	s25 =	smul.u32 $0x14, s7  }
0xa: {  	s24 =	sshll.u32 s7, $0x6;
	s14 =	sadd.s32 $0x138000, s3;
	s29 =	smul.u32 $0x1400, s7  }
0xb: {  	p0 =	sne.s32 s7, $0x0;
	s6 =	ssub.s32 $0x2, s9;
	s26 =	smul.u32 $0xA, s9  }
0xc: {  	_ =	strace $0x80000047;
	s11 =	sor.u32 s9, s11;
	s15 =	smul.u32 $0xA00, s9  }
0xd: {  	s10 =	sshrl.u32 s6, $0x1;
	s8 =	sshrl.u32 s8, $0x2;
	[dreg:$0x6] =	wrdreg s11  }
0xe: {  	s23 =	sadd.s32 s0, s12;
	s0 =	sadd.s32 $0x27000, s0;
	s30 =	sadd.s32 s25, s2  }
0xf: {  	s11 =	sadd.s32 s25, s1;
	s10 =	ssub.s32 s6, s10;
	[dreg:$0x7] =	wrdreg s23  }
0x10: {  	s13 =	sadd.s32 s8, s3;
	s6 =	sor.u32 $0x1C0D, s24;
	[dreg:$0x8] =	wrdreg s0  }
0x11: {  	s9 =	sadd.s32 s26, s30;
	s0 =	sadd.s32 s29, s5;
	s28 =	smax.u32 s10, $0x1  }
0x12: {  	s10 =	sadd.s32 s26, s11;
	s31 =	sshrl.u32 s13, $0x3;
	[dreg:$0x9] =	wrdreg s28  }
0x13: {  	s11 =	sadd.s32 s15, s0;
	s0 =	sshrl.u32 @!p0 s14, $0x3;
	[dreg:$0xa] =	wrdreg s31  }
0x14: {  	s13 =	simm.s32 $0xD;
	s15 =	simm.s32 $0x9;
	[dreg:$0xb] =	wrdreg s0  }
.LBB2_1:
0x15: {  	s0 =	rddreg [dreg:$0x7]  }
0x16: {  	s5 =	rddreg [dreg:$0xa]  }
0x17: {  	[spmem:s5], [sflag:s6] =	dma.local [hbm:s0], $0x2700  }
0x18: {  	_ =	swait.ge [sflag:s13], $0x2700  }
0x19: {  	[sflag:s13] =	ssyncset.done $0x0;
	s0 =	rddreg [dreg:$0x8]  }
0x1a: {  	s5 =	rddreg [dreg:$0xb];
	[sflag:s13] =	ssyncadd.s32 $0xFFFFD900  }
0x1b: {  	[spmem:s5], [sflag:s6] =	dma.local @!p0 [hbm:s0], $0x100  }
0x1c: {  	s0 =	simm.s32 @!p0 $0xD  }
0x1d: {  	_ =	swait.ge @!p0 [sflag:s0], $0x100  }
0x1e: {  	[sflag:s0] =	ssyncset.done @!p0 $0x0  }
0x1f: {  	p1 =	por $0x1, $0x1;
	[sflag:s0] =	ssyncadd.s32 @!p0 $0xFFFFFF00  }
0x20: {  	s0 =	simm.s32 @!p1 $0x2;
	[bflag:$0x0] =	sbarrier.arrive $0xFFFF  }
0x21: {  	_ =	swait.ge @!p1 [sflag:s0], $0x50  }
0x22: {  	[sflag:s0] =	ssyncset.done @!p1 $0x0  }
0x23: {  	[sflag:s0] =	ssyncadd.s32 @!p1 $0xFFFFFFB0;
	s0 =	simm.s32 @!p1 $0x4  }
0x24: {  	p2 =	por @!p1 $0x1, $0x1;
	_ =	swait.ge @!p1 [sflag:s0], $0x50  }
0x25: {  	p2 =	por p2, p1;
	[sflag:s0] =	ssyncset.done @!p1 $0x0  }
0x26: {  	s5 =	simm.s32 @!p2 $0xA;
	[sflag:s0] =	ssyncadd.s32 @!p1 $0xFFFFFFB0  }
0x27: {  	_ =	swait.ge @!p2 [sflag:s5], $0x2800  }
0x28: {  	[sflag:s5] =	ssyncset.done @!p2 $0x0  }
0x29: {  	s0 =	simm.s32 @!p2 $0xC;
	[sflag:s5] =	ssyncadd.s32 @!p2 $0xFFFFD800  }
0x2a: {  	_ =	swait.ge @!p2 [sflag:s0], $0x2800  }
0x2b: {  	s24 =	simm.s32 @!p1 $0x16280;
	s7 =	simm.s32 @!p1 $0x13900;
	[sflag:s0] =	ssyncset.done @!p2 $0x0  }
0x2c: {  	s5 =	simm.s32 @!p1 $0x50;
	[sflag:s0] =	ssyncadd.s32 @!p2 $0xFFFFD800;
	p2 =	por $0x1, $0x1  }
0x2d: {  	[tilespmem:s24], [sflag:$0x6] =	stream.indirect.gather @!p1 [spmem:s3], $0x80, s7, s5, $0xb8;
	[tilespmem:$0x1DA80] =	vst v63  }
0x2e: {  	s26 =	simm.s32 @!p1 $0x1B280;
	s0 =	simm.s32 @!p1 $0x13A00;
	s7 =	simm.s32 @!p2 $0x5  }
0x2f: {  	[tilespmem:s26], [sflag:$0x8] =	stream.indirect.gather @!p1 [spmem:s3], $0x80, s0, s5, $0xb8;
	[tilespmem:$0x1DA80] =	vst v63  }
0x30: {  	_ =	swait.ge @!p2 [sflag:s7], $0x2800  }
0x31: {  	[sflag:s7] =	ssyncset.done @!p2 $0x0  }
0x32: {  	s0 =	simm.s32 @!p2 $0x7;
	[sflag:s7] =	ssyncadd.s32 @!p2 $0xFFFFD800  }
0x33: {  	s19 =	simm.s32 @!p2 $0x13A80;
	_ =	swait.ge @!p2 [sflag:s0], $0x2800  }
0x34: {  	s20 =	simm.s32 @!p2 $0x400;
	s5 =	sadd.s32 @!p2 $0x0, s11;
	[sflag:s0] =	ssyncset.done @!p2 $0x0  }
0x35: {  	s21 =	simm.s32 @!p2 $0x800;
	s7 =	sadd.s32 @!p2 $0xFFFD8000, s5;
	[sflag:s0] =	ssyncadd.s32 @!p2 $0xFFFFD800  }
0x36: {  	[hbm4b:s7+s20] =	stream.strided.scatter @!p2 [tilespmem:s19], [sflag:$0x9], $0x2800, s21, s20, $0x38;
	[tilespmem:$0x1DA80] =	vst v63  }
0x37: {  	p3 =	por $0x0, $0x0;
	s0 =	sadd.s32 @!p2 $0xFFFD8080, s5;
	s5 =	simm.s32 @!p2 $0x18A80  }
0x38: {  	[hbm4b:s0+s20] =	stream.strided.scatter @!p2 [tilespmem:s5], [sflag:$0xB], $0x2800, s21, s20, $0x38;
	[tilespmem:$0x1DA80] =	vst v63  }
0x39: {  	s7 =	simm.s32 @!p3 $0x0;
	s5 =	simm.s32 @!p3 $0x13880  }
0x3a: {  	[tilespmem:s5], [sflag:$0x1] =	stream.linear.gather @!p3 [hbm4b:s9+s7], $0x50, $0x38;
	[tilespmem:$0x1DA80] =	vst v63  }
0x3b: {  	s19 =	simm.s32 @!p3 $0x1;
	s0 =	simm.s32 @!p3 $0x13980  }
0x3c: {  	[tilespmem:s0], [sflag:$0x3] =	stream.linear.gather @!p3 [hbm4b:s10+s7], $0x50, $0x38;
	[tilespmem:$0x1DA80] =	vst v63  }
0x3d: {  	_ =	swait.ge @!p3 [sflag:s19], $0x50  }
0x3e: {  	s25 =	simm.s32 $0x1;
	[sflag:s19] =	ssyncset.done @!p3 $0x0  }
0x3f: {  	s29 =	simm.s32 $0x50000;
	s7 =	simm.s32 @!p3 $0x3;
	[sflag:s19] =	ssyncadd.s32 @!p3 $0xFFFFFFB0  }
0x40: {  	s22 =	sadd.s32 $0x280, s9;
	p2 =	por @!p3 $0x1, $0x1;
	_ =	swait.ge @!p3 [sflag:s7], $0x50  }
0x41: {  	s23 =	simm.s32 $0x0;
	p4 =	por p2, p3;
	[sflag:s7] =	ssyncset.done @!p3 $0x0  }
0x42: {  	s20 =	simm.s32 $0x28000;
	s21 =	simm.s32 @!p4 $0x9;
	[sflag:s7] =	ssyncadd.s32 @!p3 $0xFFFFFFB0  }
0x43: {  	s19 =	simm.s32 $0x3;
	s7 =	sadd.s32 @!p1 $0x0, s11;
	_ =	swait.ge @!p4 [sflag:s21], $0x2800  }
0x44: {  	s30 =	sadd.s32 @!p1 $0xFFFEC000, s7;
	s28 =	sadd.s32 @!p1 $0xFFFEC080, s7;
	[sflag:s21] =	ssyncset.done @!p4 $0x0  }
0x45: {  	s7 =	simm.s32 @!p4 $0xB;
	[sflag:s21] =	ssyncadd.s32 @!p4 $0xFFFFD800;
	s21 =	sadd.s32 $0x280, s10  }
.LBB2_2:
0x46: {  	_ =	swait.ge @!p4 [sflag:s7], $0x2800  }
0x47: {  	[sflag:s7] =	ssyncset.done @!p4 $0x0  }
0x48: {  	s8 =	simm.s32 @!p3 $0x13A80;
	[sflag:s7] =	ssyncadd.s32 @!p4 $0xFFFFD800;
	s7 =	simm.s32 @!p3 $0x50  }
0x49: {  	[tilespmem:s8], [sflag:$0x5] =	stream.indirect.gather @!p3 [spmem:s3], $0x80, s5, s7, $0xb8;
	[tilespmem:$0x1DA80] =	vst v63  }
0x4a: {  	s5 =	simm.s32 @!p3 $0x18A80;
	s8 =	simm.s32 @!p1 $0x6  }
0x4b: {  	[tilespmem:s5], [sflag:$0x7] =	stream.indirect.gather @!p3 [spmem:s3], $0x80, s0, s7, $0xb8;
	[tilespmem:$0x1DA80] =	vst v63  }
0x4c: {  	_ =	swait.ge @!p1 [sflag:s8], $0x2800  }
0x4d: {  	s7 =	smov.u32 s25;
	[sflag:s8] =	ssyncset.done @!p1 $0x0  }
0x4e: {  	s7 =	simm.s32 @p3 $0x7F;
	[sflag:s8] =	ssyncadd.s32 @!p1 $0xFFFFD800;
	s8 =	simm.s32 @!p1 $0x8  }
0x4f: {  	s0 =	simm.s32 @!p1 $0x400;
	p3 =	sgt.u32 s7, $0x7C;
	_ =	swait.ge @!p1 [sflag:s8], $0x2800  }
0x50: {  	s7 =	sshll.u32 @!p3 s7, $0x5;
	[sflag:s8] =	ssyncset.done @!p1 $0x0;
	s12 =	rddreg [dreg:$0x6]  }
0x51: {  	s5 =	simm.s32 @!p1 $0x800;
	[sflag:s8] =	ssyncadd.s32 @!p1 $0xFFFFD800;
	s7 =	sor.u32 @!p3 s12, s7  }
0x52: {  	[hbm4b:s30+s0] =	stream.strided.scatter @!p1 [tilespmem:s24], [sflag:$0xA], $0x2800, s5, s0, $0x38;
	[tilespmem:$0x1DA80] =	vst v63  }
0x53: {  	s14 =	sadd.s32 $0xFFFFFFFE, s19;
	s12 =	simm.s32 @!p3 $0x0;
	s7 =	smul.u32 @!p3 $0xA, s7  }
0x54: {  	[hbm4b:s28+s0] =	stream.strided.scatter @!p1 [tilespmem:s26], [sflag:$0xC], $0x2800, s5, s0, $0x38;
	[tilespmem:$0x1DA80] =	vst v63  }
0x55: {  	s24 =	simm.s32 @!p3 $0x13900;
	p1 =	sgt.u32 s14, $0x7C;
	s0 =	sadd.s32 @!p3 s2, s7  }
0x56: {  	[tilespmem:s24], [sflag:$0x2] =	stream.linear.gather @!p3 [hbm4b:s0+s12], $0x50, $0x38;
	[tilespmem:$0x1DA80] =	vst v63  }
0x57: {  	s8 =	simm.s32 @!p3 $0x13A00;
	s5 =	sadd.s32 @!p3 s1, s7;
	s0 =	simm.s32 @!p1 $0x2  }
0x58: {  	[tilespmem:s8], [sflag:$0x4] =	stream.linear.gather @!p3 [hbm4b:s5+s12], $0x50, $0x38;
	[tilespmem:$0x1DA80] =	vst v63  }
0x59: {  	_ =	swait.ge @!p1 [sflag:s0], $0x50  }
0x5a: {  	[sflag:s0] =	ssyncset.done @!p1 $0x0  }
0x5b: {  	s23 =	sadd.s32 $0x1, s23;
	[sflag:s0] =	ssyncadd.s32 @!p1 $0xFFFFFFB0;
	s0 =	simm.s32 @!p1 $0x4  }
0x5c: {  	p4 =	slt.u32 @!p1 s23, $0x2;
	_ =	swait.ge @!p1 [sflag:s0], $0x50  }
0x5d: {  	p3 =	por p4, p1;
	[sflag:s0] =	ssyncset.done @!p1 $0x0  }
0x5e: {  	s5 =	simm.s32 @!p3 $0xA;
	[sflag:s0] =	ssyncadd.s32 @!p1 $0xFFFFFFB0  }
0x5f: {  	s7 =	sadd.s32 @!p1 s20, s11;
	_ =	swait.ge @!p3 [sflag:s5], $0x2800  }
0x60: {  	s30 =	sadd.s32 @!p1 $0xFFFEC000, s7;
	[sflag:s5] =	ssyncset.done @!p3 $0x0  }
0x61: {  	s28 =	sadd.s32 @!p1 $0xFFFEC080, s7;
	s7 =	simm.s32 @!p3 $0xC;
	[sflag:s5] =	ssyncadd.s32 @!p3 $0xFFFFD800  }
0x62: {  	s14 =	sadd.s32 $0xFFFFFFFD, s19;
	_ =	swait.ge @!p3 [sflag:s7], $0x2800  }
0x63: {  	s24 =	simm.s32 @!p1 $0x16280;
	s8 =	simm.s32 @!p1 $0x50;
	[sflag:s7] =	ssyncset.done @!p3 $0x0  }
0x64: {  	s12 =	simm.s32 @!p1 $0x13900;
	p4 =	sgt.u32 s14, $0x7C;
	[sflag:s7] =	ssyncadd.s32 @!p3 $0xFFFFD800  }
0x65: {  	[tilespmem:s24], [sflag:$0x6] =	stream.indirect.gather @!p1 [spmem:s3], $0x80, s12, s8, $0xb8;
	[tilespmem:$0x1DA80] =	vst v63  }
0x66: {  	s26 =	simm.s32 @!p1 $0x1B280;
	s0 =	simm.s32 @!p1 $0x13A00;
	s5 =	simm.s32 @!p4 $0x5  }
0x67: {  	[tilespmem:s26], [sflag:$0x8] =	stream.indirect.gather @!p1 [spmem:s3], $0x80, s0, s8, $0xb8;
	[tilespmem:$0x1DA80] =	vst v63  }
0x68: {  	_ =	swait.ge @!p4 [sflag:s5], $0x2800  }
0x69: {  	[sflag:s5] =	ssyncset.done @!p4 $0x0  }
0x6a: {  	s0 =	simm.s32 @!p4 $0x7;
	[sflag:s5] =	ssyncadd.s32 @!p4 $0xFFFFD800  }
0x6b: {  	s14 =	simm.s32 @!p4 $0x800;
	_ =	swait.ge @!p4 [sflag:s0], $0x2800  }
0x6c: {  	s7 =	sadd.s32 @!p4 s20, s11;
	s12 =	simm.s32 @!p4 $0x400;
	[sflag:s0] =	ssyncset.done @!p4 $0x0  }
0x6d: {  	s8 =	sadd.s32 @!p4 $0xFFFD8000, s7;
	s5 =	simm.s32 @!p4 $0x13A80;
	[sflag:s0] =	ssyncadd.s32 @!p4 $0xFFFFD800  }
0x6e: {  	[hbm4b:s8+s12] =	stream.strided.scatter @!p4 [tilespmem:s5], [sflag:$0x9], $0x2800, s14, s12, $0x38;
	[tilespmem:$0x1DA80] =	vst v63  }
0x6f: {  	p3 =	seq.s32 s20, $0x9D8000;
	s7 =	sadd.s32 @!p4 $0xFFFD8080, s7;
	s0 =	simm.s32 @!p4 $0x18A80  }
0x70: {  	[hbm4b:s7+s12] =	stream.strided.scatter @!p4 [tilespmem:s0], [sflag:$0xB], $0x2800, s14, s12, $0x38;
	[tilespmem:$0x1DA80] =	vst v63  }
0x71: {  	s5 =	simm.s32 @!p3 $0x13880;
	s7 =	simm.s32 @!p3 $0x0  }
0x72: {  	[tilespmem:s5], [sflag:$0x1] =	stream.linear.gather @!p3 [hbm4b:s22+s7], $0x50, $0x38;
	[tilespmem:$0x1DA80] =	vst v63  }
0x73: {  	s8 =	simm.s32 @!p3 $0x1;
	s0 =	simm.s32 @!p3 $0x13980  }
0x74: {  	[tilespmem:s0], [sflag:$0x3] =	stream.linear.gather @!p3 [hbm4b:s21+s7], $0x50, $0x38;
	[tilespmem:$0x1DA80] =	vst v63  }
0x75: {  	_ =	swait.ge @!p3 [sflag:s8], $0x50  }
0x76: {  	s31 =	smov.u32 s29;
	[sflag:s8] =	ssyncset.done @!p3 $0x0  }
0x77: {  	s29 =	sadd.s32 $0x28000, s29;
	s7 =	simm.s32 @!p3 $0x3;
	[sflag:s8] =	ssyncadd.s32 @!p3 $0xFFFFFFB0  }
0x78: {  	p2 =	sne.s32 s29, $0xA00000;
	p4 =	seq.s32 @!p3 s20, $0x0;
	_ =	swait.ge @!p3 [sflag:s7], $0x50  }
.Ltmp0:
0x79: {  	p4 =	por p4, p3;
	[sflag:s7] =	ssyncset.done @!p3 $0x0;
	(pc) =	sbr.rel @p2 .LBB2_2-.Ltmp0, $4  }
0x7a: {  	s8 =	simm.s32 @!p4 $0x9;
	[sflag:s7] =	ssyncadd.s32 @!p3 $0xFFFFFFB0  }
0x7b: {  	s25 =	smov.u32 s19;
	s19 =	sadd.s32 $0x2, s19;
	_ =	swait.ge @!p4 [sflag:s8], $0x2800  }
0x7c: {  	s20 =	smov.u32 s31;
	s22 =	sadd.s32 $0x280, s22;
	[sflag:s8] =	ssyncset.done @!p4 $0x0  }
0x7d: {  	s21 =	sadd.s32 $0x280, s21;
	s7 =	simm.s32 @!p4 $0xB;
	[sflag:s8] =	ssyncadd.s32 @!p4 $0xFFFFD800  }
0x7e: {  	_ =	swait.ge @!p4 [sflag:s7], $0x2800  }
0x7f: {  	[sflag:s7] =	ssyncset.done @!p4 $0x0  }
0x80: {  	s8 =	simm.s32 @!p3 $0x13A80;
	[sflag:s7] =	ssyncadd.s32 @!p4 $0xFFFFD800;
	s7 =	simm.s32 @!p3 $0x50  }
0x81: {  	[tilespmem:s8], [sflag:$0x5] =	stream.indirect.gather @!p3 [spmem:s3], $0x80, s5, s7, $0xb8;
	[tilespmem:$0x1DA80] =	vst v63  }
0x82: {  	s5 =	simm.s32 @!p3 $0x18A80;
	s8 =	simm.s32 @!p1 $0x6  }
0x83: {  	[tilespmem:s5], [sflag:$0x7] =	stream.indirect.gather @!p3 [spmem:s3], $0x80, s0, s7, $0xb8;
	[tilespmem:$0x1DA80] =	vst v63  }
0x84: {  	_ =	swait.ge @!p1 [sflag:s8], $0x2800  }
0x85: {  	s25 =	simm.s32 @p3 $0x7F;
	[sflag:s8] =	ssyncset.done @!p1 $0x0  }
0x86: {  	p2 =	sgt.u32 s25, $0x7C;
	s0 =	simm.s32 @!p1 $0x8;
	[sflag:s8] =	ssyncadd.s32 @!p1 $0xFFFFD800  }
0x87: {  	s12 =	sshll.u32 @!p2 s25, $0x5;
	_ =	swait.ge @!p1 [sflag:s0], $0x2800  }
0x88: {  	s5 =	simm.s32 @!p1 $0x400;
	[sflag:s0] =	ssyncset.done @!p1 $0x0;
	s7 =	rddreg [dreg:$0x6]  }
0x89: {  	s8 =	simm.s32 @!p1 $0x800;
	[sflag:s0] =	ssyncadd.s32 @!p1 $0xFFFFD800;
	s0 =	sor.u32 @!p2 s7, s12  }
0x8a: {  	[hbm4b:s30+s5] =	stream.strided.scatter @!p1 [tilespmem:s24], [sflag:$0xA], $0x2800, s8, s5, $0x38;
	[tilespmem:$0x1DA80] =	vst v63  }
0x8b: {  	s29 =	sadd.s32 $0xFFFFFFFE, s19;
	s12 =	simm.s32 @!p2 $0x0;
	s0 =	smul.u32 @!p2 $0xA, s0  }
0x8c: {  	[hbm4b:s28+s5] =	stream.strided.scatter @!p1 [tilespmem:s26], [sflag:$0xC], $0x2800, s8, s5, $0x38;
	[tilespmem:$0x1DA80] =	vst v63  }
0x8d: {  	s5 =	simm.s32 @!p2 $0x13900;
	p1 =	sgt.u32 s29, $0x7C;
	s7 =	sadd.s32 @!p2 s2, s0  }
0x8e: {  	[tilespmem:s5], [sflag:$0x2] =	stream.linear.gather @!p2 [hbm4b:s7+s12], $0x50, $0x38;
	[tilespmem:$0x1DA80] =	vst v63  }
0x8f: {  	s0 =	sadd.s32 @!p2 s1, s0;
	s5 =	simm.s32 @!p2 $0x13A00;
	s7 =	simm.s32 @!p1 $0x2  }
0x90: {  	[tilespmem:s5], [sflag:$0x4] =	stream.linear.gather @!p2 [hbm4b:s0+s12], $0x50, $0x38;
	[tilespmem:$0x1DA80] =	vst v63  }
0x91: {  	_ =	swait.ge @!p1 [sflag:s7], $0x50  }
0x92: {  	[sflag:s7] =	ssyncset.done @!p1 $0x0  }
0x93: {  	s0 =	sadd.s32 $0x1, s23;
	s5 =	simm.s32 @!p1 $0x4;
	[sflag:s7] =	ssyncadd.s32 @!p1 $0xFFFFFFB0  }
0x94: {  	p2 =	slt.u32 @!p1 s0, $0x2;
	_ =	swait.ge @!p1 [sflag:s5], $0x50  }
0x95: {  	p2 =	por p2, p1;
	[sflag:s5] =	ssyncset.done @!p1 $0x0  }
0x96: {  	s0 =	simm.s32 @!p2 $0xA;
	[sflag:s5] =	ssyncadd.s32 @!p1 $0xFFFFFFB0  }
0x97: {  	_ =	swait.ge @!p2 [sflag:s0], $0x2800  }
0x98: {  	[sflag:s0] =	ssyncset.done @!p2 $0x0  }
0x99: {  	s5 =	simm.s32 @!p2 $0xC;
	[sflag:s0] =	ssyncadd.s32 @!p2 $0xFFFFD800  }
0x9a: {  	s30 =	sadd.s32 $0xFFFFFFFD, s19;
	_ =	swait.ge @!p2 [sflag:s5], $0x2800  }
0x9b: {  	p3 =	sgt.u32 s30, $0x7C;
	s8 =	simm.s32 @!p1 $0x50;
	[sflag:s5] =	ssyncset.done @!p2 $0x0  }
0x9c: {  	s12 =	simm.s32 @!p1 $0x13900;
	s0 =	simm.s32 @!p1 $0x16280;
	[sflag:s5] =	ssyncadd.s32 @!p2 $0xFFFFD800  }
0x9d: {  	[tilespmem:s0], [sflag:$0x6] =	stream.indirect.gather @!p1 [spmem:s3], $0x80, s12, s8, $0xb8;
	[tilespmem:$0x1DA80] =	vst v63  }
0x9e: {  	s7 =	simm.s32 @!p1 $0x13A00;
	s5 =	simm.s32 @!p1 $0x1B280;
	s12 =	simm.s32 @!p3 $0x5  }
0x9f: {  	[tilespmem:s5], [sflag:$0x8] =	stream.indirect.gather @!p1 [spmem:s3], $0x80, s7, s8, $0xb8;
	[tilespmem:$0x1DA80] =	vst v63  }
0xa0: {  	_ =	swait.ge @!p3 [sflag:s12], $0x2800  }
0xa1: {  	[sflag:s12] =	ssyncset.done @!p3 $0x0  }
0xa2: {  	s7 =	simm.s32 @!p3 $0x7;
	[sflag:s12] =	ssyncadd.s32 @!p3 $0xFFFFD800  }
0xa3: {  	s14 =	simm.s32 @!p3 $0x13A80;
	_ =	swait.ge @!p3 [sflag:s7], $0x2800  }
0xa4: {  	s24 =	simm.s32 @!p3 $0x800;
	s8 =	sadd.s32 @!p3 s20, s11;
	[sflag:s7] =	ssyncset.done @!p3 $0x0  }
0xa5: {  	s23 =	simm.s32 @!p3 $0x400;
	s12 =	sadd.s32 @!p3 $0xFFFD8000, s8;
	[sflag:s7] =	ssyncadd.s32 @!p3 $0xFFFFD800  }
0xa6: {  	[hbm4b:s12+s23] =	stream.strided.scatter @!p3 [tilespmem:s14], [sflag:$0x9], $0x2800, s24, s23, $0x38;
	[tilespmem:$0x1DA80] =	vst v63  }
0xa7: {  	p2 =	seq.s32 s20, $0x9D8000;
	s7 =	sadd.s32 @!p3 $0xFFFD8080, s8;
	s8 =	simm.s32 @!p3 $0x18A80  }
0xa8: {  	[hbm4b:s7+s23] =	stream.strided.scatter @!p3 [tilespmem:s8], [sflag:$0xB], $0x2800, s24, s23, $0x38;
	[tilespmem:$0x1DA80] =	vst v63  }
0xa9: {  	s7 =	simm.s32 @!p2 $0x0;
	s8 =	simm.s32 @!p2 $0x13880  }
0xaa: {  	[tilespmem:s8], [sflag:$0x1] =	stream.linear.gather @!p2 [hbm4b:s22+s7], $0x50, $0x38;
	[tilespmem:$0x1DA80] =	vst v63  }
0xab: {  	s12 =	simm.s32 @!p2 $0x13980;
	s14 =	simm.s32 @!p2 $0x1  }
0xac: {  	[tilespmem:s12], [sflag:$0x3] =	stream.linear.gather @!p2 [hbm4b:s21+s7], $0x50, $0x38;
	[tilespmem:$0x1DA80] =	vst v63  }
0xad: {  	_ =	swait.ge @!p2 [sflag:s14], $0x50  }
0xae: {  	[sflag:s14] =	ssyncset.done @!p2 $0x0  }
0xaf: {  	s7 =	simm.s32 @!p2 $0x3;
	[sflag:s14] =	ssyncadd.s32 @!p2 $0xFFFFFFB0  }
0xb0: {  	p3 =	seq.s32 @!p2 s20, $0x0;
	_ =	swait.ge @!p2 [sflag:s7], $0x50  }
0xb1: {  	p3 =	por p3, p2;
	[sflag:s7] =	ssyncset.done @!p2 $0x0  }
0xb2: {  	s14 =	simm.s32 @!p3 $0x9;
	[sflag:s7] =	ssyncadd.s32 @!p2 $0xFFFFFFB0  }
0xb3: {  	_ =	swait.ge @!p3 [sflag:s14], $0x2800  }
0xb4: {  	[sflag:s14] =	ssyncset.done @!p3 $0x0  }
0xb5: {  	s7 =	simm.s32 @!p3 $0xB;
	[sflag:s14] =	ssyncadd.s32 @!p3 $0xFFFFD800  }
0xb6: {  	_ =	swait.ge @!p3 [sflag:s7], $0x2800  }
0xb7: {  	[sflag:s7] =	ssyncset.done @!p3 $0x0  }
0xb8: {  	s14 =	simm.s32 @!p2 $0x13A80;
	[sflag:s7] =	ssyncadd.s32 @!p3 $0xFFFFD800;
	s7 =	simm.s32 @!p2 $0x50  }
0xb9: {  	[tilespmem:s14], [sflag:$0x5] =	stream.indirect.gather @!p2 [spmem:s3], $0x80, s8, s7, $0xb8;
	[tilespmem:$0x1DA80] =	vst v63  }
0xba: {  	s8 =	simm.s32 @!p2 $0x18A80;
	s14 =	simm.s32 @!p1 $0x6  }
0xbb: {  	[tilespmem:s8], [sflag:$0x7] =	stream.indirect.gather @!p2 [spmem:s3], $0x80, s12, s7, $0xb8;
	[tilespmem:$0x1DA80] =	vst v63  }
0xbc: {  	_ =	swait.ge @!p1 [sflag:s14], $0x2800  }
0xbd: {  	s19 =	simm.s32 @p2 $0x7F;
	[sflag:s14] =	ssyncset.done @!p1 $0x0  }
0xbe: {  	s21 =	simm.s32 @!p1 $0x800;
	s12 =	simm.s32 @!p1 $0x8;
	[sflag:s14] =	ssyncadd.s32 @!p1 $0xFFFFD800  }
0xbf: {  	s7 =	sadd.s32 @!p1 s20, s11;
	p2 =	sgt.u32 s19, $0x7C;
	_ =	swait.ge @!p1 [sflag:s12], $0x2800  }
0xc0: {  	s8 =	sadd.s32 @!p1 $0xFFFEC000, s7;
	s19 =	sshll.u32 @!p2 s19, $0x5;
	[sflag:s12] =	ssyncset.done @!p1 $0x0  }
0xc1: {  	s14 =	simm.s32 @!p1 $0x400;
	s20 =	rddreg [dreg:$0x6];
	[sflag:s12] =	ssyncadd.s32 @!p1 $0xFFFFD800  }
0xc2: {  	[hbm4b:s8+s14] =	stream.strided.scatter @!p1 [tilespmem:s0], [sflag:$0xA], $0x2800, s21, s14, $0x38;
	[tilespmem:$0x1DA80] =	vst v63  }
0xc3: {  	s0 =	sor.u32 @!p2 s20, s19  }
0xc4: {  	s7 =	sadd.s32 @!p1 $0xFFFEC080, s7;
	s0 =	smul.u32 @!p2 $0xA, s0  }
0xc5: {  	[hbm4b:s7+s14] =	stream.strided.scatter @!p1 [tilespmem:s5], [sflag:$0xC], $0x2800, s21, s14, $0x38;
	[tilespmem:$0x1DA80] =	vst v63  }
0xc6: {  	s5 =	simm.s32 @!p2 $0x0;
	s7 =	simm.s32 @!p2 $0x13900;
	s8 =	sadd.s32 @!p2 s2, s0  }
0xc7: {  	[tilespmem:s7], [sflag:$0x2] =	stream.linear.gather @!p2 [hbm4b:s8+s5], $0x50, $0x38;
	[tilespmem:$0x1DA80] =	vst v63  }
0xc8: {  	s0 =	sadd.s32 @!p2 s1, s0;
	s7 =	simm.s32 @!p2 $0x13A00  }
0xc9: {  	[tilespmem:s7], [sflag:$0x4] =	stream.linear.gather @!p2 [hbm4b:s0+s5], $0x50, $0x38;
	[tilespmem:$0x1DA80] =	vst v63  }
0xca: {  	_ =	swait.ge [sflag:s15], $0x2800  }
0xcb: {  	[sflag:s15] =	ssyncset.done $0x0  }
0xcc: {  	[sflag:s15] =	ssyncadd.s32 $0xFFFFD800  }
0xcd: {  	_ =	swait.ge [sflag:s16], $0x2800  }
0xce: {  	[sflag:s16] =	ssyncset.done $0x0  }
0xcf: {  	[sflag:s16] =	ssyncadd.s32 $0xFFFFD800  }
0xd0: {  	_ =	swait.ge [sflag:s17], $0x2800  }
0xd1: {  	[sflag:s17] =	ssyncset.done $0x0  }
0xd2: {  	[sflag:s17] =	ssyncadd.s32 $0xFFFFD800  }
0xd3: {  	_ =	swait.ge [sflag:s18], $0x2800  }
0xd4: {  	s4 =	sadd.s32 $0x1, s4;
	s31 =	rddreg [dreg:$0x9]  }
0xd5: {  	p1 =	sne.s32 s4, s31  }
.Ltmp1:
0xd6: {  	_ = 	snop;
	(pc) =	sbr.rel @p1 .LBB2_1-.Ltmp1, $3  }
0xd7: {  	_ =	sdelay $0x1  }
0xd8: {  	[sflag:s18] =	ssyncset.done $0x0  }
0xd9: {  	[sflag:s18] =	ssyncadd.s32 $0xFFFFD800  }
0xda: {  	_ =	sfence.sel $0x180000  }
0xdb: {  	[bflag:$0x0] =	sbarrier.arrive $0xFFFF  }
0xdc: {  	_ =	strace $0x90000047  }
0xdd: {  	[bflag:$0x2] =	sbarrier.arrive $0xFFFF  }
0xde: {  	s0 =	rddreg [dreg:$0x5]  }
0xdf: {  	s0 =	sadd.s32 @!p0 $0x100000, s0  }
0xe0: {  	[sflag:s0] =	ssyncadd.tile.s32 @!p0 $0x1;
	_ =	shalt  }
.Lfunc_end2:
_tile_overlayer_lowered:
.L_overlay_start_2:
0xe1: {  	(tag) =	ssettag $0x2  }
0xe2: {  	s0 =	rddreg [dreg:$0x0];
	s2 =	stileid.u32  }
0xe3: {  	s1 =	rddreg [dreg:$0x1];
	p0 =	sne.s32 s2, $0x0  }
0xe4: {  	s3 =	rddreg [dreg:$0x2];
	[bflag:$0x3] =	sbarrier.arrive $0xFFFF;
	s2 =	simm.s32 @!p0 $0x1C0D  }
0xe5: {  	[timem:s3], [sflag:s2] =	dma.local @!p0 [hbm:s0], s1  }
0xe6: {  	s0 =	simm.s32 @!p0 $0xD  }
0xe7: {  	_ =	swait.ge @!p0 [sflag:s0], s1  }
0xe8: {  	s1 =	ssub.s32 @!p0 $0x0, s1;
	[sflag:s0] =	ssyncset.done @!p0 $0x0  }
0xe9: {  	[sflag:s0] =	ssyncadd.s32 @!p0 s1  }
0xea: {  	[bflag:$0x3] =	sbarrier.arrive $0xFFFF  }
0xeb: {  	_ =	shalt  }

</sc_bundles>
